<compile_context>
chip_gen: v7x
topology: tpu7x:2x2x1
jax: 0.10.2.dev20260603
libtpu: 0.0.44.dev20260713+nightly
codegen_flags: <defaults>
</compile_context>

<pallas_src>
import functools

import jax
import jax.numpy as jnp
from jax import lax
from jax.experimental import pallas as pl
from jax.experimental.pallas import tpu as pltpu
from jax.experimental.pallas import tpu_sc as plsc

N0, N1, N2 = 4000, 4000, 2000
N = N0 + N1 + N2
E = 320000
D_IN, D_PROJ, D_EMD = 128, 64, 64
D_CTX, D_HID = 16, 16
S = 16384

NC, NS = 2, 16
NW = NC * NS
EDGE_K = 128
E_PAD = 327680
CHUNKS = E_PAD // (NW * EDGE_K)
N_ACC = 10240
ROWS_PER_TILE = N_ACC // NS

G_TOTAL = 9 * S
G_CHUNKS = G_TOTAL // (NW * 128)
G_PER_TILE = G_CHUNKS * 128


def _proj_body(x_ref, w_ref, o_ref):
    o_ref[...] = jnp.dot(x_ref[...], w_ref[0],
                         preferred_element_type=jnp.float32)


def _proj(x, wp):
    return pl.pallas_call(
        _proj_body,
        grid=(5,),
        in_specs=[
            pl.BlockSpec((2000, D_IN), lambda i: (i, 0)),
            pl.BlockSpec((1, D_IN, D_PROJ), lambda i: (i // 2, 0, 0)),
        ],
        out_specs=pl.BlockSpec((2000, D_PROJ), lambda i: (i, 0)),
        out_shape=jax.ShapeDtypeStruct((N, D_PROJ), jnp.float32),
    )(x, wp)


def _segsum_body(h_hbm, src_hbm, dst_hbm, zinit_hbm, out_hbm,
                 src_v, dst_v, buf, acc_sh, sem):
    cid = lax.axis_index("c")
    sid = lax.axis_index("s")
    wid = cid * NS + sid
    pltpu.sync_copy(src_hbm.at[wid], src_v)
    pltpu.sync_copy(dst_hbm.at[wid], dst_v)
    r0 = sid * ROWS_PER_TILE
    pltpu.sync_copy(zinit_hbm.at[pl.ds(r0, ROWS_PER_TILE)],
                    acc_sh.at[pl.ds(r0, ROWS_PER_TILE)])
    plsc.subcore_barrier()

    def body(j, _):
        pltpu.async_copy(h_hbm.at[src_v.at[j]], buf, sem).wait()
        pltpu.sync_copy(buf, acc_sh.at[dst_v.at[j]], add=True)
        return _

    lax.fori_loop(0, CHUNKS, body, None)
    plsc.subcore_barrier()
    pltpu.sync_copy(acc_sh.at[pl.ds(r0, ROWS_PER_TILE)],
                    out_hbm.at[pl.ds(cid * N_ACC + r0, ROWS_PER_TILE)])


def _segsum(h_homo, src_p, dst_p, zinit):
    mesh = plsc.VectorSubcoreMesh(core_axis_name="c", subcore_axis_name="s")
    k = functools.partial(
        pl.kernel,
        mesh=mesh,
        out_type=jax.ShapeDtypeStruct((NC * N_ACC, D_PROJ), jnp.float32),
        scratch_types=[
            pltpu.VMEM((CHUNKS, EDGE_K), jnp.int32),
            pltpu.VMEM((CHUNKS, EDGE_K), jnp.int32),
            pltpu.VMEM((EDGE_K, D_PROJ), jnp.float32),
            pltpu.VMEM_SHARED((N_ACC, D_PROJ), jnp.float32),
            pltpu.SemaphoreType.DMA,
        ],
        compiler_params=pltpu.CompilerParams(use_tc_tiling_on_sc=False),
    )(_segsum_body)
    return k(h_homo, src_p, dst_p, zinit)


def _gnn_body(a0_ref, a1_ref, w_ref, b_ref, o_ref):
    h = jnp.dot(a0_ref[...] + a1_ref[...], w_ref[...],
                preferred_element_type=jnp.float32) + b_ref[...]
    nrm = jnp.sqrt(jnp.sum(h * h, axis=1, keepdims=True))
    o_ref[...] = h / jnp.maximum(nrm, 1e-12)


def _gnn(a0, a1, w_gnn, b_gnn):
    return pl.pallas_call(
        _gnn_body,
        grid=(5,),
        in_specs=[
            pl.BlockSpec((2000, D_PROJ), lambda i: (i, 0)),
            pl.BlockSpec((2000, D_PROJ), lambda i: (i, 0)),
            pl.BlockSpec((D_PROJ, D_EMD), lambda i: (0, 0)),
            pl.BlockSpec((1, D_EMD), lambda i: (0, 0)),
        ],
        out_specs=pl.BlockSpec((2000, D_EMD), lambda i: (i, 0)),
        out_shape=jax.ShapeDtypeStruct((N, D_EMD), jnp.float32),
    )(a0, a1, w_gnn, b_gnn)


def _tables_body(e_ref, wh_ref, wc_ref, o_ref):
    t = pl.program_id(0)
    j = pl.program_id(1)
    typ = j // 2
    pos = jnp.where(typ < t, typ, typ - 1)
    m_same = wh_ref[0, :D_EMD, :]
    p0 = wh_ref[0, D_EMD:D_EMD + D_CTX, :]
    p1 = wh_ref[0, D_EMD + D_CTX:D_EMD + 2 * D_CTX, :]
    part = jnp.where(pos == 0, p0, p1)
    m_diff = jnp.dot(wc_ref[0], part, preferred_element_type=jnp.float32)
    m = jnp.where(typ == t, m_same, m_diff)
    o_ref[0] = jnp.dot(e_ref[...], m, preferred_element_type=jnp.float32)


def _tables(emd, wh_all, wc_all):
    return pl.pallas_call(
        _tables_body,
        grid=(3, 5),
        in_specs=[
            pl.BlockSpec((2000, D_EMD), lambda t, j: (j, 0)),
            pl.BlockSpec((1, D_EMD + 2 * D_CTX, D_HID), lambda t, j: (t, 0, 0)),
            pl.BlockSpec((1, D_EMD, D_HID), lambda t, j: (j // 2, 0, 0)),
        ],
        out_specs=pl.BlockSpec((1, 2000, D_HID), lambda t, j: (t, j, 0)),
        out_shape=jax.ShapeDtypeStruct((3, N, D_HID), jnp.float32),
    )(emd, wh_all, wc_all)


def _clsgather_body(tab_hbm, idx_hbm, out_hbm, idx_v, out_v, sem):
    cid = lax.axis_index("c")
    sid = lax.axis_index("s")
    wid = cid * NS + sid
    pltpu.sync_copy(idx_hbm.at[wid], idx_v)

    def body(j, _):
        pltpu.async_copy(tab_hbm.at[idx_v.at[j]],
                         out_v.at[pl.ds(j * 128, 128)], sem).wait()
        return _

    lax.fori_loop(0, G_CHUNKS, body, None)
    pltpu.sync_copy(out_v, out_hbm.at[pl.ds(wid * G_PER_TILE, G_PER_TILE)])


def _clsgather(tab_flat, g_idx):
    mesh = plsc.VectorSubcoreMesh(core_axis_name="c", subcore_axis_name="s")
    k = functools.partial(
        pl.kernel,
        mesh=mesh,
        out_type=jax.ShapeDtypeStruct((G_TOTAL, D_HID), jnp.float32),
        scratch_types=[
            pltpu.VMEM((G_CHUNKS, 128), jnp.int32),
            pltpu.VMEM((G_PER_TILE, D_HID), jnp.float32),
            pltpu.SemaphoreType.DMA,
        ],
        compiler_params=pltpu.CompilerParams(use_tc_tiling_on_sc=False),
    )(_clsgather_body)
    return k(tab_flat, g_idx)


def _cls_body(a_ref, b_ref, c_ref, wo_ref, o_ref):
    hid = jax.nn.relu(a_ref[...] + b_ref[...] + c_ref[...])
    p = jnp.dot(hid, wo_ref[0], preferred_element_type=jnp.float32)
    o_ref[...] = jax.nn.sigmoid(p)


def _cls(ag, bg, cg, wo_all):
    return pl.pallas_call(
        _cls_body,
        grid=(48,),
        in_specs=[
            pl.BlockSpec((1024, D_HID), lambda i: (i, 0)),
            pl.BlockSpec((1024, D_HID), lambda i: (i, 0)),
            pl.BlockSpec((1024, D_HID), lambda i: (i, 0)),
            pl.BlockSpec((1, D_HID, 1), lambda i: (i // 16, 0, 0)),
        ],
        out_specs=pl.BlockSpec((1024, 1), lambda i: (i, 0)),
        out_shape=jax.ShapeDtypeStruct((3 * S, 1), jnp.float32),
    )(ag, bg, cg, wo_all)


def kernel(h_n0, h_n1, h_n2, edge_index,
           idx_n0_n0, idx_n0_n1, idx_n0_n2,
           idx_n1_n0, idx_n1_n1, idx_n1_n2,
           idx_n2_n0, idx_n2_n1, idx_n2_n2,
           W_proj_n0, W_ctx_n0, W_hid_n0, W_out_n0,
           W_proj_n1, W_ctx_n1, W_hid_n1, W_out_n1,
           W_proj_n2, W_ctx_n2, W_hid_n2, W_out_n2,
           W_gnn, b_gnn):
    ei = edge_index.astype(jnp.int32)
    pad = E_PAD - E
    src_p = jnp.concatenate(
        [ei[0], jnp.zeros((pad,), jnp.int32)]).reshape(NW, CHUNKS, EDGE_K)
    dst_p = jnp.concatenate(
        [ei[1], jnp.full((pad,), N_ACC - 1, jnp.int32)]).reshape(NW, CHUNKS, EDGE_K)

    x = jnp.concatenate([h_n0, h_n1, h_n2], axis=0)
    wp = jnp.stack([W_proj_n0, W_proj_n1, W_proj_n2])
    h_homo = _proj(x, wp)
    zinit = jnp.zeros((N_ACC, D_PROJ), jnp.float32)
    acc2 = _segsum(h_homo, src_p, dst_p, zinit)

    h = _gnn(acc2[:N], acc2[N_ACC:N_ACC + N], W_gnn, b_gnn.reshape(1, D_EMD))

    wh_all = jnp.stack([W_hid_n0, W_hid_n1, W_hid_n2])
    wc_all = jnp.stack([W_ctx_n0, W_ctx_n1, W_ctx_n2])
    tab = _tables(h, wh_all, wc_all).reshape(3 * N, D_HID)

    off = (0, N0, N0 + N1)
    a_idx = jnp.concatenate([
        0 * N + off[0] + idx_n0_n0,
        1 * N + off[1] + idx_n1_n1,
        2 * N + off[2] + idx_n2_n2])
    b_idx = jnp.concatenate([
        0 * N + off[1] + idx_n0_n1,
        1 * N + off[0] + idx_n1_n0,
        2 * N + off[0] + idx_n2_n0])
    c_idx = jnp.concatenate([
        0 * N + off[2] + idx_n0_n2,
        1 * N + off[2] + idx_n1_n2,
        2 * N + off[1] + idx_n2_n1])
    g_idx = jnp.concatenate([a_idx, b_idx, c_idx]).astype(jnp.int32)
    g_idx = g_idx.reshape(NW, G_CHUNKS, 128)

    gout = _clsgather(tab, g_idx)

    wo_all = jnp.stack([W_out_n0, W_out_n1, W_out_n2])
    p = _cls(gout[:3 * S], gout[3 * S:6 * S], gout[6 * S:], wo_all)
    return (h, p.reshape(-1))

# --- scband reference (transcript-rebuilt; emitter-appended) ---
"""Pipeline reference for scband-nshe-87943750353447 (READ-ONLY COPY).

The authoritative reference and input builder live on the scoring server;
editing this copy changes nothing except your own understanding.
"""

import jax, jax.numpy as jnp
import numpy as np

N0, N1, N2 = 4000, 4000, 2000
N = N0 + N1 + N2
E = 320000
D_IN = 128
D_PROJ = 64
D_EMD = 64
D_CTX = 16
D_CLA = D_EMD + D_CTX * 2
D_HID = 16
S = 16384
NTYPES = ("n0", "n1", "n2")
COUNTS = {"n0": N0, "n1": N1, "n2": N2}


def setup_inputs(seed: int = 0):
    key = jax.random.key(seed)
    ks = jax.random.split(key, 32)
    inp = {}
    inp["h_n0"] = jax.random.normal(ks[0], (N0, D_IN), jnp.float32)
    inp["h_n1"] = jax.random.normal(ks[1], (N1, D_IN), jnp.float32)
    inp["h_n2"] = jax.random.normal(ks[2], (N2, D_IN), jnp.float32)
    inp["edge_index"] = jax.random.randint(ks[3], (2, E), 0, N, dtype=jnp.int32).astype(jnp.int64)
    ki = 4
    for t in NTYPES:
        for nt in NTYPES:
            inp["idx_%s_%s" % (t, nt)] = jax.random.randint(ks[ki], (S,), 0, COUNTS[nt], dtype=jnp.int32).astype(jnp.int64)
            ki += 1
    def lin(k, i, o):
        return jax.random.normal(k, (i, o), jnp.float32) * (1.0 / float(np.sqrt(i)))
    for t in NTYPES:
        inp["W_proj_%s" % t] = lin(ks[ki], D_IN, D_PROJ); ki += 1
        inp["W_ctx_%s" % t] = lin(ks[ki], D_EMD, D_CTX); ki += 1
        inp["W_hid_%s" % t] = lin(ks[ki], D_CLA, D_HID); ki += 1
        inp["W_out_%s" % t] = lin(ks[ki], D_HID, 1); ki += 1
    inp["W_gnn"] = lin(ks[ki], D_PROJ, D_EMD); ki += 1
    inp["b_gnn"] = jnp.zeros((D_EMD,), jnp.float32)
    return inp


def reference(h_n0, h_n1, h_n2, edge_index,
              idx_n0_n0, idx_n0_n1, idx_n0_n2,
              idx_n1_n0, idx_n1_n1, idx_n1_n2,
              idx_n2_n0, idx_n2_n1, idx_n2_n2,
              W_proj_n0, W_ctx_n0, W_hid_n0, W_out_n0,
              W_proj_n1, W_ctx_n1, W_hid_n1, W_out_n1,
              W_proj_n2, W_ctx_n2, W_hid_n2, W_out_n2,
              W_gnn, b_gnn):
    hs = {"n0": h_n0, "n1": h_n1, "n2": h_n2}
    Wp = {"n0": W_proj_n0, "n1": W_proj_n1, "n2": W_proj_n2}
    Wc = {"n0": W_ctx_n0, "n1": W_ctx_n1, "n2": W_ctx_n2}
    Wh = {"n0": W_hid_n0, "n1": W_hid_n1, "n2": W_hid_n2}
    Wo = {"n0": W_out_n0, "n1": W_out_n1, "n2": W_out_n2}
    idx = {"n0": {"n0": idx_n0_n0, "n1": idx_n0_n1, "n2": idx_n0_n2},
           "n1": {"n0": idx_n1_n0, "n1": idx_n1_n1, "n2": idx_n1_n2},
           "n2": {"n0": idx_n2_n0, "n1": idx_n2_n1, "n2": idx_n2_n2}}
    # feature_proj (hetero_linear, no bias)
    h_proj = {t: hs[t] @ Wp[t] for t in NTYPES}
    # dgl.to_homogeneous: concat node features in ntype order
    h_homo = jnp.concatenate([h_proj[t] for t in NTYPES], axis=0)
    # gnn2 = GraphConv(norm='none', activation=None): sum-aggregate then weight+bias
    src = edge_index[0]
    dst = edge_index[1]
    agg = jax.ops.segment_sum(jnp.take(h_homo, src, axis=0), dst, num_segments=N)
    h = agg @ W_gnn + b_gnn
    # F.normalize(h, p=2, dim=1) with eps=1e-12
    h = h / jnp.maximum(jnp.linalg.norm(h, axis=1, keepdims=True), 1e-12)
    # h2dict: split back per ntype
    emd = {"n0": h[0:N0], "n1": h[N0:N0 + N1], "n2": h[N0 + N1:N]}
    # context_encoder (hetero_linear, no bias)
    h_ctx = {t: emd[t] @ Wc[t] for t in NTYPES}
    # pre_ns + multi_2Linear classifier (no bias)
    p_list = []
    for t in NTYPES:
        h_tar = jnp.take(emd[t], idx[t][t], axis=0)
        for nt in NTYPES:
            if nt != t:
                h_tar = jnp.concatenate([h_tar, jnp.take(h_ctx[nt], idx[t][nt], axis=0)], axis=1)
        hid = jax.nn.relu(h_tar @ Wh[t])
        p = hid @ Wo[t]
        p_list.append(p)
    x = jax.nn.sigmoid(jnp.concatenate(p_list, axis=0)).reshape(-1)
    return (h, x)

if __name__ == "__main__":
    import jax
    _d = setup_inputs()
    print(jax.jit(kernel)(*tuple(_d.values())))

</pallas_src>

<mosaic_0001>
#map = affine_map<(d0, d1) -> (0, 0)>
#map1 = affine_map<(d0, d1) -> (0, 0, 0)>
module attributes {stable_mosaic.version = 14 : i64} {
  func.func @_segsum_body(%arg0: i32, %arg1: i32, %arg2: memref<10000x64xf32, #tpu.memory_space<hbm>>, %arg3: memref<32x80x128xi32, #tpu.memory_space<hbm>>, %arg4: memref<32x80x128xi32, #tpu.memory_space<hbm>>, %arg5: memref<10240x64xf32, #tpu.memory_space<hbm>>, %arg6: memref<20480x64xf32, #tpu.memory_space<hbm>>, %arg7: memref<80x128xi32, #tpu.memory_space<vmem>>, %arg8: memref<80x128xi32, #tpu.memory_space<vmem>>, %arg9: memref<128x64xf32, #tpu.memory_space<vmem>>, %arg10: memref<10240x64xf32, #tpu.memory_space<vmem_shared>>, %arg11: memref<!tpu.dma_semaphore, #tpu.memory_space<semaphore_mem>>) attributes {dimension_semantics = [#tpu.dimension_semantics<core_parallel>, #tpu.dimension_semantics<subcore_parallel>], iteration_bounds = array<i64: 2, 16>, scalar_prefetch = 0 : i64, scratch_operands = 5 : i64, tpu.core_type = #tpu.core_type<sc_vector_subcore>, window_params = [{transform_indices = #map}, {transform_indices = #map1}, {transform_indices = #map1}, {transform_indices = #map}, {transform_indices = #map}]} {
    %mul3A = arith.constant 16 : i32
    %mul3A_0 = arith.muli %arg0, %mul3A : i32
    %add3A = arith.addi %mul3A_0, %arg1 : i32
    "tpu.region"() ({
      %run_scoped3A = tpu.sem_alloc : memref<!tpu.dma_semaphore, #tpu.memory_space<semaphore_mem>>
      %dma_start3A = arith.constant 0 : i32
      %dma_start3A_11 = arith.constant 0 : i32
      %dma_start3A_12 = tpu.memref_slice %arg3[%add3A, %dma_start3A, %dma_start3A_11] : memref<32x80x128xi32, #tpu.memory_space<hbm>> -> memref<1x80x128xi32, #tpu.memory_space<hbm>>
      %dma_start3A_13 = tpu.memref_squeeze %dma_start3A_12 : memref<1x80x128xi32, #tpu.memory_space<hbm>> -> memref<80x128xi32, #tpu.memory_space<hbm>>
      %dma_start3A_14 = arith.constant 0 : i32
      %dma_start3A_15 = arith.constant 0 : i32
      %dma_start3A_16 = tpu.memref_slice %arg3[%add3A, %dma_start3A_14, %dma_start3A_15] : memref<32x80x128xi32, #tpu.memory_space<hbm>> -> memref<1x80x128xi32, #tpu.memory_space<hbm>>
      %dma_start3A_17 = tpu.memref_squeeze %dma_start3A_16 : memref<1x80x128xi32, #tpu.memory_space<hbm>> -> memref<80x128xi32, #tpu.memory_space<hbm>>
      tpu.enqueue_dma source(%dma_start3A_17 : memref<80x128xi32, #tpu.memory_space<hbm>>) target(%arg7 : memref<80x128xi32, #tpu.memory_space<vmem>>) target_semaphore(%run_scoped3A : memref<!tpu.dma_semaphore, #tpu.memory_space<semaphore_mem>>)
      %dma_wait3A = arith.constant 0 : i32
      %dma_wait3A_18 = arith.constant 0 : i32
      %dma_wait3A_19 = tpu.memref_slice %arg3[%add3A, %dma_wait3A, %dma_wait3A_18] : memref<32x80x128xi32, #tpu.memory_space<hbm>> -> memref<1x80x128xi32, #tpu.memory_space<hbm>>
      %dma_wait3A_20 = tpu.memref_squeeze %dma_wait3A_19 : memref<1x80x128xi32, #tpu.memory_space<hbm>> -> memref<80x128xi32, #tpu.memory_space<hbm>>
      %dma_wait3A_21 = arith.constant 0 : i32
      %dma_wait3A_22 = arith.constant 0 : i32
      %dma_wait3A_23 = tpu.memref_slice %arg3[%add3A, %dma_wait3A_21, %dma_wait3A_22] : memref<32x80x128xi32, #tpu.memory_space<hbm>> -> memref<1x80x128xi32, #tpu.memory_space<hbm>>
      %dma_wait3A_24 = tpu.memref_squeeze %dma_wait3A_23 : memref<1x80x128xi32, #tpu.memory_space<hbm>> -> memref<80x128xi32, #tpu.memory_space<hbm>>
      tpu.wait_dma2 semaphore(%run_scoped3A : memref<!tpu.dma_semaphore, #tpu.memory_space<semaphore_mem>>) src(%dma_wait3A_24 : memref<80x128xi32, #tpu.memory_space<hbm>>) dst(%arg7 : memref<80x128xi32, #tpu.memory_space<vmem>>)
      tpu.yield
    }) : () -> ()
    "tpu.region"() ({
      %run_scoped3A = tpu.sem_alloc : memref<!tpu.dma_semaphore, #tpu.memory_space<semaphore_mem>>
      %dma_start3A = arith.constant 0 : i32
      %dma_start3A_11 = arith.constant 0 : i32
      %dma_start3A_12 = tpu.memref_slice %arg4[%add3A, %dma_start3A, %dma_start3A_11] : memref<32x80x128xi32, #tpu.memory_space<hbm>> -> memref<1x80x128xi32, #tpu.memory_space<hbm>>
      %dma_start3A_13 = tpu.memref_squeeze %dma_start3A_12 : memref<1x80x128xi32, #tpu.memory_space<hbm>> -> memref<80x128xi32, #tpu.memory_space<hbm>>
      %dma_start3A_14 = arith.constant 0 : i32
      %dma_start3A_15 = arith.constant 0 : i32
      %dma_start3A_16 = tpu.memref_slice %arg4[%add3A, %dma_start3A_14, %dma_start3A_15] : memref<32x80x128xi32, #tpu.memory_space<hbm>> -> memref<1x80x128xi32, #tpu.memory_space<hbm>>
      %dma_start3A_17 = tpu.memref_squeeze %dma_start3A_16 : memref<1x80x128xi32, #tpu.memory_space<hbm>> -> memref<80x128xi32, #tpu.memory_space<hbm>>
      tpu.enqueue_dma source(%dma_start3A_17 : memref<80x128xi32, #tpu.memory_space<hbm>>) target(%arg8 : memref<80x128xi32, #tpu.memory_space<vmem>>) target_semaphore(%run_scoped3A : memref<!tpu.dma_semaphore, #tpu.memory_space<semaphore_mem>>)
      %dma_wait3A = arith.constant 0 : i32
      %dma_wait3A_18 = arith.constant 0 : i32
      %dma_wait3A_19 = tpu.memref_slice %arg4[%add3A, %dma_wait3A, %dma_wait3A_18] : memref<32x80x128xi32, #tpu.memory_space<hbm>> -> memref<1x80x128xi32, #tpu.memory_space<hbm>>
      %dma_wait3A_20 = tpu.memref_squeeze %dma_wait3A_19 : memref<1x80x128xi32, #tpu.memory_space<hbm>> -> memref<80x128xi32, #tpu.memory_space<hbm>>
      %dma_wait3A_21 = arith.constant 0 : i32
      %dma_wait3A_22 = arith.constant 0 : i32
      %dma_wait3A_23 = tpu.memref_slice %arg4[%add3A, %dma_wait3A_21, %dma_wait3A_22] : memref<32x80x128xi32, #tpu.memory_space<hbm>> -> memref<1x80x128xi32, #tpu.memory_space<hbm>>
      %dma_wait3A_24 = tpu.memref_squeeze %dma_wait3A_23 : memref<1x80x128xi32, #tpu.memory_space<hbm>> -> memref<80x128xi32, #tpu.memory_space<hbm>>
      tpu.wait_dma2 semaphore(%run_scoped3A : memref<!tpu.dma_semaphore, #tpu.memory_space<semaphore_mem>>) src(%dma_wait3A_24 : memref<80x128xi32, #tpu.memory_space<hbm>>) dst(%arg8 : memref<80x128xi32, #tpu.memory_space<vmem>>)
      tpu.yield
    }) : () -> ()
    %mul3A_1 = arith.constant 640 : i32
    %mul3A_2 = arith.muli %arg1, %mul3A_1 : i32
    "tpu.region"() ({
      %run_scoped3A = tpu.sem_alloc : memref<!tpu.dma_semaphore, #tpu.memory_space<semaphore_mem>>
      %dma_start3A = arith.constant 0 : i32
      %dma_start3A_11 = tpu.memref_slice %arg10[%mul3A_2, %dma_start3A] : memref<10240x64xf32, #tpu.memory_space<vmem_shared>> -> memref<640x64xf32, #tpu.memory_space<vmem_shared>>
      %dma_start3A_12 = arith.constant 0 : i32
      %dma_start3A_13 = tpu.memref_slice %arg5[%mul3A_2, %dma_start3A_12] : memref<10240x64xf32, #tpu.memory_space<hbm>> -> memref<640x64xf32, #tpu.memory_space<hbm>>
      tpu.enqueue_dma source(%dma_start3A_13 : memref<640x64xf32, #tpu.memory_space<hbm>>) target(%dma_start3A_11 : memref<640x64xf32, #tpu.memory_space<vmem_shared>>) target_semaphore(%run_scoped3A : memref<!tpu.dma_semaphore, #tpu.memory_space<semaphore_mem>>)
      %dma_wait3A = arith.constant 0 : i32
      %dma_wait3A_14 = tpu.memref_slice %arg10[%mul3A_2, %dma_wait3A] : memref<10240x64xf32, #tpu.memory_space<vmem_shared>> -> memref<640x64xf32, #tpu.memory_space<vmem_shared>>
      %dma_wait3A_15 = arith.constant 0 : i32
      %dma_wait3A_16 = tpu.memref_slice %arg5[%mul3A_2, %dma_wait3A_15] : memref<10240x64xf32, #tpu.memory_space<hbm>> -> memref<640x64xf32, #tpu.memory_space<hbm>>
      tpu.wait_dma2 semaphore(%run_scoped3A : memref<!tpu.dma_semaphore, #tpu.memory_space<semaphore_mem>>) src(%dma_wait3A_16 : memref<640x64xf32, #tpu.memory_space<hbm>>) dst(%dma_wait3A_14 : memref<640x64xf32, #tpu.memory_space<vmem_shared>>)
      tpu.yield
    }) : () -> ()
    %barrier3A = arith.constant 0 : index
    tpu.barrier barrier_id(%barrier3A)
    %scan3A = arith.constant 0 : i32
    %scan3A_3 = arith.constant 80 : i32
    %scan3A_4 = arith.addi %scan3A, %scan3A_3 : i32
    %scan3A_5 = arith.constant 1 : i32
    scf.for %scan3A_11 = %scan3A to %scan3A_4 step %scan3A_5  : i32 {
      %dma_start3A = arith.constant 0 : i32
      %dma_start3A_12 = tpu.memref_slice %arg7[%scan3A_11, %dma_start3A] : memref<80x128xi32, #tpu.memory_space<vmem>> -> memref<1x128xi32, #tpu.memory_space<vmem>>
      %dma_start3A_13 = tpu.memref_squeeze %dma_start3A_12 : memref<1x128xi32, #tpu.memory_space<vmem>> -> memref<128xi32, #tpu.memory_space<vmem>>
      %dma_start3A_14 = arith.constant 0 : i32
      %dma_start3A_15 = arith.constant 0 : i32
      %dma_start3A_16 = tpu.memref_slice %arg2[%dma_start3A_14, %dma_start3A_15] : memref<10000x64xf32, #tpu.memory_space<hbm>> -> memref<10000x64xf32, #tpu.memory_space<hbm>>
      tpu.enqueue_indirect_dma source(%dma_start3A_16 : memref<10000x64xf32, #tpu.memory_space<hbm>>) target(%arg9 : memref<128x64xf32, #tpu.memory_space<vmem>>) offsets(%dma_start3A_13 : memref<128xi32, #tpu.memory_space<vmem>>) semaphore(%arg11 : memref<!tpu.dma_semaphore, #tpu.memory_space<semaphore_mem>>)
      %dma_wait3A = arith.constant 0 : i32
      %dma_wait3A_17 = tpu.memref_slice %arg7[%scan3A_11, %dma_wait3A] : memref<80x128xi32, #tpu.memory_space<vmem>> -> memref<1x128xi32, #tpu.memory_space<vmem>>
      %dma_wait3A_18 = tpu.memref_squeeze %dma_wait3A_17 : memref<1x128xi32, #tpu.memory_space<vmem>> -> memref<128xi32, #tpu.memory_space<vmem>>
      %dma_wait3A_19 = arith.constant 0 : i32
      %dma_wait3A_20 = arith.constant 0 : i32
      %dma_wait3A_21 = tpu.memref_slice %arg2[%dma_wait3A_19, %dma_wait3A_20] : memref<10000x64xf32, #tpu.memory_space<hbm>> -> memref<10000x64xf32, #tpu.memory_space<hbm>>
      tpu.wait_indirect_dma semaphore(%arg11 : memref<!tpu.dma_semaphore, #tpu.memory_space<semaphore_mem>>) src(%dma_wait3A_21 : memref<10000x64xf32, #tpu.memory_space<hbm>>) dst(%arg9 : memref<128x64xf32, #tpu.memory_space<vmem>>)
      "tpu.region"() ({
        %run_scoped3A = tpu.sem_alloc : memref<!tpu.dma_semaphore, #tpu.memory_space<semaphore_mem>>
        %dma_start3A_22 = arith.constant 0 : i32
        %dma_start3A_23 = tpu.memref_slice %arg8[%scan3A_11, %dma_start3A_22] : memref<80x128xi32, #tpu.memory_space<vmem>> -> memref<1x128xi32, #tpu.memory_space<vmem>>
        %dma_start3A_24 = tpu.memref_squeeze %dma_start3A_23 : memref<1x128xi32, #tpu.memory_space<vmem>> -> memref<128xi32, #tpu.memory_space<vmem>>
        %dma_start3A_25 = arith.constant 0 : i32
        %dma_start3A_26 = arith.constant 0 : i32
        %dma_start3A_27 = tpu.memref_slice %arg10[%dma_start3A_25, %dma_start3A_26] : memref<10240x64xf32, #tpu.memory_space<vmem_shared>> -> memref<10240x64xf32, #tpu.memory_space<vmem_shared>>
        tpu.enqueue_indirect_dma source(%arg9 : memref<128x64xf32, #tpu.memory_space<vmem>>) target(%dma_start3A_27 : memref<10240x64xf32, #tpu.memory_space<vmem_shared>>) offsets(%dma_start3A_24 : memref<128xi32, #tpu.memory_space<vmem>>) semaphore(%run_scoped3A : memref<!tpu.dma_semaphore, #tpu.memory_space<semaphore_mem>>) {add = true}
        %dma_wait3A_28 = arith.constant 0 : i32
        %dma_wait3A_29 = tpu.memref_slice %arg8[%scan3A_11, %dma_wait3A_28] : memref<80x128xi32, #tpu.memory_space<vmem>> -> memref<1x128xi32, #tpu.memory_space<vmem>>
        %dma_wait3A_30 = tpu.memref_squeeze %dma_wait3A_29 : memref<1x128xi32, #tpu.memory_space<vmem>> -> memref<128xi32, #tpu.memory_space<vmem>>
        %dma_wait3A_31 = arith.constant 0 : i32
        %dma_wait3A_32 = arith.constant 0 : i32
        %dma_wait3A_33 = tpu.memref_slice %arg10[%dma_wait3A_31, %dma_wait3A_32] : memref<10240x64xf32, #tpu.memory_space<vmem_shared>> -> memref<10240x64xf32, #tpu.memory_space<vmem_shared>>
        tpu.wait_indirect_dma semaphore(%run_scoped3A : memref<!tpu.dma_semaphore, #tpu.memory_space<semaphore_mem>>) src(%arg9 : memref<128x64xf32, #tpu.memory_space<vmem>>) dst(%dma_wait3A_33 : memref<10240x64xf32, #tpu.memory_space<vmem_shared>>)
        tpu.yield
      }) : () -> ()
    }
    %scan3A_6 = arith.constant 80 : i32
    %barrier3A_7 = arith.constant 0 : index
    tpu.barrier barrier_id(%barrier3A_7)
    %mul3A_8 = arith.constant 10240 : i32
    %mul3A_9 = arith.muli %arg0, %mul3A_8 : i32
    %add3A_10 = arith.addi %mul3A_9, %mul3A_2 : i32
    "tpu.region"() ({
      %run_scoped3A = tpu.sem_alloc : memref<!tpu.dma_semaphore, #tpu.memory_space<semaphore_mem>>
      %dma_start3A = arith.constant 0 : i32
      %dma_start3A_11 = tpu.memref_slice %arg6[%add3A_10, %dma_start3A] : memref<20480x64xf32, #tpu.memory_space<hbm>> -> memref<640x64xf32, #tpu.memory_space<hbm>>
      %dma_start3A_12 = arith.constant 0 : i32
      %dma_start3A_13 = tpu.memref_slice %arg10[%mul3A_2, %dma_start3A_12] : memref<10240x64xf32, #tpu.memory_space<vmem_shared>> -> memref<640x64xf32, #tpu.memory_space<vmem_shared>>
      tpu.enqueue_dma source(%dma_start3A_13 : memref<640x64xf32, #tpu.memory_space<vmem_shared>>) target(%dma_start3A_11 : memref<640x64xf32, #tpu.memory_space<hbm>>) target_semaphore(%run_scoped3A : memref<!tpu.dma_semaphore, #tpu.memory_space<semaphore_mem>>)
      %dma_wait3A = arith.constant 0 : i32
      %dma_wait3A_14 = tpu.memref_slice %arg6[%add3A_10, %dma_wait3A] : memref<20480x64xf32, #tpu.memory_space<hbm>> -> memref<640x64xf32, #tpu.memory_space<hbm>>
      %dma_wait3A_15 = arith.constant 0 : i32
      %dma_wait3A_16 = tpu.memref_slice %arg10[%mul3A_2, %dma_wait3A_15] : memref<10240x64xf32, #tpu.memory_space<vmem_shared>> -> memref<640x64xf32, #tpu.memory_space<vmem_shared>>
      tpu.wait_dma2 semaphore(%run_scoped3A : memref<!tpu.dma_semaphore, #tpu.memory_space<semaphore_mem>>) src(%dma_wait3A_16 : memref<640x64xf32, #tpu.memory_space<vmem_shared>>) dst(%dma_wait3A_14 : memref<640x64xf32, #tpu.memory_space<hbm>>)
      tpu.yield
    }) : () -> ()
    return
  }
}

#map = affine_map<(d0, d1) -> (0, 0)>
#map1 = affine_map<(d0, d1) -> (0, 0, 0)>
module attributes {stable_mosaic.version = 14 : i64} {
  func.func @_clsgather_body(%arg0: i32, %arg1: i32, %arg2: memref<30000x16xf32, #tpu.memory_space<hbm>>, %arg3: memref<32x36x128xi32, #tpu.memory_space<hbm>>, %arg4: memref<147456x16xf32, #tpu.memory_space<hbm>>, %arg5: memref<36x128xi32, #tpu.memory_space<vmem>>, %arg6: memref<4608x16xf32, #tpu.memory_space<vmem>>, %arg7: memref<!tpu.dma_semaphore, #tpu.memory_space<semaphore_mem>>) attributes {dimension_semantics = [#tpu.dimension_semantics<core_parallel>, #tpu.dimension_semantics<subcore_parallel>], iteration_bounds = array<i64: 2, 16>, scalar_prefetch = 0 : i64, scratch_operands = 3 : i64, tpu.core_type = #tpu.core_type<sc_vector_subcore>, window_params = [{transform_indices = #map}, {transform_indices = #map1}, {transform_indices = #map}]} {
    %mul3A = arith.constant 16 : i32
    %mul3A_0 = arith.muli %arg0, %mul3A : i32
    %add3A = arith.addi %mul3A_0, %arg1 : i32
    "tpu.region"() ({
      %run_scoped3A = tpu.sem_alloc : memref<!tpu.dma_semaphore, #tpu.memory_space<semaphore_mem>>
      %dma_start3A = arith.constant 0 : i32
      %dma_start3A_7 = arith.constant 0 : i32
      %dma_start3A_8 = tpu.memref_slice %arg3[%add3A, %dma_start3A, %dma_start3A_7] : memref<32x36x128xi32, #tpu.memory_space<hbm>> -> memref<1x36x128xi32, #tpu.memory_space<hbm>>
      %dma_start3A_9 = tpu.memref_squeeze %dma_start3A_8 : memref<1x36x128xi32, #tpu.memory_space<hbm>> -> memref<36x128xi32, #tpu.memory_space<hbm>>
      %dma_start3A_10 = arith.constant 0 : i32
      %dma_start3A_11 = arith.constant 0 : i32
      %dma_start3A_12 = tpu.memref_slice %arg3[%add3A, %dma_start3A_10, %dma_start3A_11] : memref<32x36x128xi32, #tpu.memory_space<hbm>> -> memref<1x36x128xi32, #tpu.memory_space<hbm>>
      %dma_start3A_13 = tpu.memref_squeeze %dma_start3A_12 : memref<1x36x128xi32, #tpu.memory_space<hbm>> -> memref<36x128xi32, #tpu.memory_space<hbm>>
      tpu.enqueue_dma source(%dma_start3A_13 : memref<36x128xi32, #tpu.memory_space<hbm>>) target(%arg5 : memref<36x128xi32, #tpu.memory_space<vmem>>) target_semaphore(%run_scoped3A : memref<!tpu.dma_semaphore, #tpu.memory_space<semaphore_mem>>)
      %dma_wait3A = arith.constant 0 : i32
      %dma_wait3A_14 = arith.constant 0 : i32
      %dma_wait3A_15 = tpu.memref_slice %arg3[%add3A, %dma_wait3A, %dma_wait3A_14] : memref<32x36x128xi32, #tpu.memory_space<hbm>> -> memref<1x36x128xi32, #tpu.memory_space<hbm>>
      %dma_wait3A_16 = tpu.memref_squeeze %dma_wait3A_15 : memref<1x36x128xi32, #tpu.memory_space<hbm>> -> memref<36x128xi32, #tpu.memory_space<hbm>>
      %dma_wait3A_17 = arith.constant 0 : i32
      %dma_wait3A_18 = arith.constant 0 : i32
      %dma_wait3A_19 = tpu.memref_slice %arg3[%add3A, %dma_wait3A_17, %dma_wait3A_18] : memref<32x36x128xi32, #tpu.memory_space<hbm>> -> memref<1x36x128xi32, #tpu.memory_space<hbm>>
      %dma_wait3A_20 = tpu.memref_squeeze %dma_wait3A_19 : memref<1x36x128xi32, #tpu.memory_space<hbm>> -> memref<36x128xi32, #tpu.memory_space<hbm>>
      tpu.wait_dma2 semaphore(%run_scoped3A : memref<!tpu.dma_semaphore, #tpu.memory_space<semaphore_mem>>) src(%dma_wait3A_20 : memref<36x128xi32, #tpu.memory_space<hbm>>) dst(%arg5 : memref<36x128xi32, #tpu.memory_space<vmem>>)
      tpu.yield
    }) : () -> ()
    %scan3A = arith.constant 0 : i32
    %scan3A_1 = arith.constant 36 : i32
    %scan3A_2 = arith.addi %scan3A, %scan3A_1 : i32
    %scan3A_3 = arith.constant 1 : i32
    scf.for %scan3A_7 = %scan3A to %scan3A_2 step %scan3A_3  : i32 {
      %mul3A_8 = arith.constant 128 : i32
      %mul3A_9 = arith.muli %scan3A_7, %mul3A_8 : i32
      %dma_start3A = arith.constant 0 : i32
      %dma_start3A_10 = tpu.memref_slice %arg6[%mul3A_9, %dma_start3A] : memref<4608x16xf32, #tpu.memory_space<vmem>> -> memref<128x16xf32, #tpu.memory_space<vmem>>
      %dma_start3A_11 = arith.constant 0 : i32
      %dma_start3A_12 = tpu.memref_slice %arg5[%scan3A_7, %dma_start3A_11] : memref<36x128xi32, #tpu.memory_space<vmem>> -> memref<1x128xi32, #tpu.memory_space<vmem>>
      %dma_start3A_13 = tpu.memref_squeeze %dma_start3A_12 : memref<1x128xi32, #tpu.memory_space<vmem>> -> memref<128xi32, #tpu.memory_space<vmem>>
      %dma_start3A_14 = arith.constant 0 : i32
      %dma_start3A_15 = arith.constant 0 : i32
      %dma_start3A_16 = tpu.memref_slice %arg2[%dma_start3A_14, %dma_start3A_15] : memref<30000x16xf32, #tpu.memory_space<hbm>> -> memref<30000x16xf32, #tpu.memory_space<hbm>>
      tpu.enqueue_indirect_dma source(%dma_start3A_16 : memref<30000x16xf32, #tpu.memory_space<hbm>>) target(%dma_start3A_10 : memref<128x16xf32, #tpu.memory_space<vmem>>) offsets(%dma_start3A_13 : memref<128xi32, #tpu.memory_space<vmem>>) semaphore(%arg7 : memref<!tpu.dma_semaphore, #tpu.memory_space<semaphore_mem>>)
      %dma_wait3A = arith.constant 0 : i32
      %dma_wait3A_17 = tpu.memref_slice %arg6[%mul3A_9, %dma_wait3A] : memref<4608x16xf32, #tpu.memory_space<vmem>> -> memref<128x16xf32, #tpu.memory_space<vmem>>
      %dma_wait3A_18 = arith.constant 0 : i32
      %dma_wait3A_19 = tpu.memref_slice %arg5[%scan3A_7, %dma_wait3A_18] : memref<36x128xi32, #tpu.memory_space<vmem>> -> memref<1x128xi32, #tpu.memory_space<vmem>>
      %dma_wait3A_20 = tpu.memref_squeeze %dma_wait3A_19 : memref<1x128xi32, #tpu.memory_space<vmem>> -> memref<128xi32, #tpu.memory_space<vmem>>
      %dma_wait3A_21 = arith.constant 0 : i32
      %dma_wait3A_22 = arith.constant 0 : i32
      %dma_wait3A_23 = tpu.memref_slice %arg2[%dma_wait3A_21, %dma_wait3A_22] : memref<30000x16xf32, #tpu.memory_space<hbm>> -> memref<30000x16xf32, #tpu.memory_space<hbm>>
      tpu.wait_indirect_dma semaphore(%arg7 : memref<!tpu.dma_semaphore, #tpu.memory_space<semaphore_mem>>) src(%dma_wait3A_23 : memref<30000x16xf32, #tpu.memory_space<hbm>>) dst(%dma_wait3A_17 : memref<128x16xf32, #tpu.memory_space<vmem>>)
    }
    %scan3A_4 = arith.constant 36 : i32
    %mul3A_5 = arith.constant 4608 : i32
    %mul3A_6 = arith.muli %add3A, %mul3A_5 : i32
    "tpu.region"() ({
      %run_scoped3A = tpu.sem_alloc : memref<!tpu.dma_semaphore, #tpu.memory_space<semaphore_mem>>
      %dma_start3A = arith.constant 0 : i32
      %dma_start3A_7 = tpu.memref_slice %arg4[%mul3A_6, %dma_start3A] : memref<147456x16xf32, #tpu.memory_space<hbm>> -> memref<4608x16xf32, #tpu.memory_space<hbm>>
      %dma_start3A_8 = arith.constant 0 : i32
      %dma_start3A_9 = tpu.memref_slice %arg4[%mul3A_6, %dma_start3A_8] : memref<147456x16xf32, #tpu.memory_space<hbm>> -> memref<4608x16xf32, #tpu.memory_space<hbm>>
      tpu.enqueue_dma source(%arg6 : memref<4608x16xf32, #tpu.memory_space<vmem>>) target(%dma_start3A_9 : memref<4608x16xf32, #tpu.memory_space<hbm>>) target_semaphore(%run_scoped3A : memref<!tpu.dma_semaphore, #tpu.memory_space<semaphore_mem>>)
      %dma_wait3A = arith.constant 0 : i32
      %dma_wait3A_10 = tpu.memref_slice %arg4[%mul3A_6, %dma_wait3A] : memref<147456x16xf32, #tpu.memory_space<hbm>> -> memref<4608x16xf32, #tpu.memory_space<hbm>>
      %dma_wait3A_11 = arith.constant 0 : i32
      %dma_wait3A_12 = tpu.memref_slice %arg4[%mul3A_6, %dma_wait3A_11] : memref<147456x16xf32, #tpu.memory_space<hbm>> -> memref<4608x16xf32, #tpu.memory_space<hbm>>
      tpu.wait_dma2 semaphore(%run_scoped3A : memref<!tpu.dma_semaphore, #tpu.memory_space<semaphore_mem>>) src(%arg6 : memref<4608x16xf32, #tpu.memory_space<vmem>>) dst(%dma_wait3A_12 : memref<4608x16xf32, #tpu.memory_space<hbm>>)
      tpu.yield
    }) : () -> ()
    return
  }
}

module attributes {stable_mosaic.version = 14 : i64} {
  func.func @_proj_body(%arg0: i32, %arg1: memref<2000x128xf32, #tpu.memory_space<vmem>>, %arg2: memref<1x128x64xf32, #tpu.memory_space<vmem>>, %arg3: memref<2000x64xf32, #tpu.memory_space<vmem>>) attributes {dimension_semantics = [#tpu.dimension_semantics<arbitrary>], iteration_bounds = array<i64: 5>, scalar_prefetch = 0 : i64, scratch_operands = 0 : i64, tpu.core_type = #tpu.core_type<tc>, window_params = [{transform_indices = @transform_0, window_bounds = array<i64: 2000, 128>}, {transform_indices = @transform_1, window_bounds = array<i64: 1, 128, 64>}, {transform_indices = @transform_2, window_bounds = array<i64: 2000, 64>}]} {
    %get3A = arith.constant 0 : index
    %get3A_0 = arith.constant 0 : index
    %get3A_1 = vector.load %arg1[%get3A, %get3A_0] : memref<2000x128xf32, #tpu.memory_space<vmem>>, vector<2000x128xf32>
    %get3A_2 = arith.constant 0 : index
    %get3A_3 = arith.constant 0 : index
    %get3A_4 = arith.constant 0 : index
    %get3A_5 = vector.load %arg2[%get3A_2, %get3A_3, %get3A_4] : memref<1x128x64xf32, #tpu.memory_space<vmem>>, vector<1x128x64xf32>
    %get3A_6 = vector.shape_cast %get3A_5 : vector<1x128x64xf32> to vector<128x64xf32>
    %dot_general3A = arith.constant dense<0.000000e+00> : vector<2000x64xf32>
    %dot_general3A_7 = tpu.matmul %get3A_1, %get3A_6, %dot_general3A {dimension_numbers = #tpu.dot_dimension_numbers<[1], [0], [0], [1], [0, 0, 1, 1], [], []>, transpose_lhs_hint = false} : vector<2000x128xf32>, vector<128x64xf32>, vector<2000x64xf32> -> vector<2000x64xf32>
    %swap3A = arith.constant 0 : index
    %swap3A_8 = arith.constant 0 : index
    %swap3A_9 = vector.load %arg3[%swap3A, %swap3A_8] : memref<2000x64xf32, #tpu.memory_space<vmem>>, vector<2000x64xf32>
    tpu.vector_store %arg3[%swap3A, %swap3A_8], %dot_general3A_7 {strides = array<i32>} : memref<2000x64xf32, #tpu.memory_space<vmem>>, vector<2000x64xf32>,
    return
  }
  func.func @transform_0(%arg0: i32) -> (i32, i32) {
    %c0_i32 = arith.constant 0 : i32
    %c0_i32_0 = arith.constant 0 : i32
    return %arg0, %c0_i32 : i32, i32
  }
  func.func @transform_1(%arg0: i32) -> (i32, i32, i32) {
    %jit3A = arith.constant 2 : i32
    %div3A = arith.divsi %arg0, %jit3A : i32
    %sign3A = arith.constant 0 : i32
    %sign3A_0 = arith.cmpi sgt, %arg0, %sign3A : i32
    %sign3A_1 = arith.extui %sign3A_0 : i1 to i32
    %sign3A_2 = arith.constant 0 : i32
    %sign3A_3 = arith.cmpi slt, %arg0, %sign3A_2 : i32
    %sign3A_4 = arith.extui %sign3A_3 : i1 to i32
    %sign3A_5 = arith.subi %sign3A_1, %sign3A_4 : i32
    %sign3A_6 = arith.constant 0 : i32
    %sign3A_7 = arith.cmpi sgt, %jit3A, %sign3A_6 : i32
    %sign3A_8 = arith.extui %sign3A_7 : i1 to i32
    %sign3A_9 = arith.constant 0 : i32
    %sign3A_10 = arith.cmpi slt, %jit3A, %sign3A_9 : i32
    %sign3A_11 = arith.extui %sign3A_10 : i1 to i32
    %sign3A_12 = arith.subi %sign3A_8, %sign3A_11 : i32
    %ne3A = arith.cmpi ne, %sign3A_5, %sign3A_12 : i32
    %rem3A = arith.remsi %arg0, %jit3A : i32
    %ne3A_13 = arith.constant 0 : i32
    %ne3A_14 = arith.cmpi ne, %rem3A, %ne3A_13 : i32
    %and3A = arith.andi %ne3A, %ne3A_14 : i1
    %sub3A = arith.constant 1 : i32
    %sub3A_15 = arith.subi %div3A, %sub3A : i32
    %select_n3A = arith.select %and3A, %sub3A_15, %div3A : i32
    %c0_i32 = arith.constant 0 : i32
    %c0_i32_16 = arith.constant 0 : i32
    %c0_i32_17 = arith.constant 0 : i32
    return %select_n3A, %c0_i32, %c0_i32_16 : i32, i32, i32
  }
  func.func @transform_2(%arg0: i32) -> (i32, i32) {
    %c0_i32 = arith.constant 0 : i32
    %c0_i32_0 = arith.constant 0 : i32
    return %arg0, %c0_i32 : i32, i32
  }
}

module attributes {stable_mosaic.version = 14 : i64} {
  func.func @_gnn_body(%arg0: i32, %arg1: memref<2000x64xf32, #tpu.memory_space<vmem>>, %arg2: memref<2000x64xf32, #tpu.memory_space<vmem>>, %arg3: memref<64x64xf32, #tpu.memory_space<vmem>>, %arg4: memref<1x64xf32, #tpu.memory_space<vmem>>, %arg5: memref<2000x64xf32, #tpu.memory_space<vmem>>) attributes {dimension_semantics = [#tpu.dimension_semantics<arbitrary>], iteration_bounds = array<i64: 5>, scalar_prefetch = 0 : i64, scratch_operands = 0 : i64, tpu.core_type = #tpu.core_type<tc>, window_params = [{transform_indices = @transform_0, window_bounds = array<i64: 2000, 64>}, {transform_indices = @transform_1, window_bounds = array<i64: 2000, 64>}, {pipeline_mode = #tpu.pipeline_mode<synchronous>, transform_indices = @transform_2, window_bounds = array<i64: 64, 64>}, {pipeline_mode = #tpu.pipeline_mode<synchronous>, transform_indices = @transform_3, window_bounds = array<i64: 1, 64>}, {transform_indices = @transform_4, window_bounds = array<i64: 2000, 64>}]} {
    %get3A = arith.constant 0 : index
    %get3A_0 = arith.constant 0 : index
    %get3A_1 = vector.load %arg1[%get3A, %get3A_0] : memref<2000x64xf32, #tpu.memory_space<vmem>>, vector<2000x64xf32>
    %get3A_2 = arith.constant 0 : index
    %get3A_3 = arith.constant 0 : index
    %get3A_4 = vector.load %arg2[%get3A_2, %get3A_3] : memref<2000x64xf32, #tpu.memory_space<vmem>>, vector<2000x64xf32>
    %add3A = arith.addf %get3A_1, %get3A_4 : vector<2000x64xf32>
    %get3A_5 = arith.constant 0 : index
    %get3A_6 = arith.constant 0 : index
    %get3A_7 = vector.load %arg3[%get3A_5, %get3A_6] : memref<64x64xf32, #tpu.memory_space<vmem>>, vector<64x64xf32>
    %dot_general3A = arith.constant dense<0.000000e+00> : vector<2000x64xf32>
    %dot_general3A_8 = tpu.matmul %add3A, %get3A_7, %dot_general3A {dimension_numbers = #tpu.dot_dimension_numbers<[1], [0], [0], [1], [0, 0, 1, 1], [], []>, transpose_lhs_hint = false} : vector<2000x64xf32>, vector<64x64xf32>, vector<2000x64xf32> -> vector<2000x64xf32>
    %get3A_9 = arith.constant 0 : index
    %get3A_10 = arith.constant 0 : index
    %get3A_11 = vector.load %arg4[%get3A_9, %get3A_10] : memref<1x64xf32, #tpu.memory_space<vmem>>, vector<1x64xf32>
    %add3A_12 = vector.broadcast %get3A_11 : vector<1x64xf32> to vector<2000x64xf32>
    %add3A_13 = arith.addf %dot_general3A_8, %add3A_12 : vector<2000x64xf32>
    %mul3A = arith.mulf %add3A_13, %add3A_13 : vector<2000x64xf32>
    %reduce_sum3A = arith.constant dense<0.000000e+00> : vector<2000xf32>
    %reduce_sum3A_14 = vector.multi_reduction <add>, %mul3A, %reduce_sum3A [1] : vector<2000x64xf32> to vector<2000xf32>
    %broadcast_in_dim3A = vector.shape_cast %reduce_sum3A_14 : vector<2000xf32> to vector<2000x1xf32>
    %sqrt3A = math.sqrt %broadcast_in_dim3A : vector<2000x1xf32>
    %max3A = arith.constant 9.99999996E-13 : f32
    %max3A_15 = vector.broadcast %max3A : f32 to vector<2000x1xf32>
    %max3A_16 = arith.maximumf %sqrt3A, %max3A_15 : vector<2000x1xf32>
    %div3A = vector.broadcast %max3A_16 : vector<2000x1xf32> to vector<2000x64xf32>
    %div3A_17 = arith.divf %add3A_13, %div3A : vector<2000x64xf32>
    %swap3A = arith.constant 0 : index
    %swap3A_18 = arith.constant 0 : index
    %swap3A_19 = vector.load %arg5[%swap3A, %swap3A_18] : memref<2000x64xf32, #tpu.memory_space<vmem>>, vector<2000x64xf32>
    tpu.vector_store %arg5[%swap3A, %swap3A_18], %div3A_17 {strides = array<i32>} : memref<2000x64xf32, #tpu.memory_space<vmem>>, vector<2000x64xf32>,
    return
  }
  func.func @transform_0(%arg0: i32) -> (i32, i32) {
    %c0_i32 = arith.constant 0 : i32
    %c0_i32_0 = arith.constant 0 : i32
    return %arg0, %c0_i32 : i32, i32
  }
  func.func @transform_1(%arg0: i32) -> (i32, i32) {
    %c0_i32 = arith.constant 0 : i32
    %c0_i32_0 = arith.constant 0 : i32
    return %arg0, %c0_i32 : i32, i32
  }
  func.func @transform_2(%arg0: i32) -> (i32, i32) {
    %c0_i32 = arith.constant 0 : i32
    %c0_i32_0 = arith.constant 0 : i32
    %c0_i32_1 = arith.constant 0 : i32
    return %c0_i32, %c0_i32_0 : i32, i32
  }
  func.func @transform_3(%arg0: i32) -> (i32, i32) {
    %c0_i32 = arith.constant 0 : i32
    %c0_i32_0 = arith.constant 0 : i32
    %c0_i32_1 = arith.constant 0 : i32
    return %c0_i32, %c0_i32_0 : i32, i32
  }
  func.func @transform_4(%arg0: i32) -> (i32, i32) {
    %c0_i32 = arith.constant 0 : i32
    %c0_i32_0 = arith.constant 0 : i32
    return %arg0, %c0_i32 : i32, i32
  }
}

module attributes {stable_mosaic.version = 14 : i64} {
  func.func @_tables_body(%arg0: i32, %arg1: i32, %arg2: memref<2000x64xf32, #tpu.memory_space<vmem>>, %arg3: memref<1x96x16xf32, #tpu.memory_space<vmem>>, %arg4: memref<1x64x16xf32, #tpu.memory_space<vmem>>, %arg5: memref<1x2000x16xf32, #tpu.memory_space<vmem>>) attributes {dimension_semantics = [#tpu.dimension_semantics<arbitrary>, #tpu.dimension_semantics<arbitrary>], iteration_bounds = array<i64: 3, 5>, scalar_prefetch = 0 : i64, scratch_operands = 0 : i64, tpu.core_type = #tpu.core_type<tc>, window_params = [{transform_indices = @transform_0, window_bounds = array<i64: 2000, 64>}, {transform_indices = @transform_1, window_bounds = array<i64: 1, 96, 16>}, {transform_indices = @transform_2, window_bounds = array<i64: 1, 64, 16>}, {transform_indices = @transform_3, window_bounds = array<i64: 1, 2000, 16>}]} {
    %jit3A = arith.constant 2 : i32
    %div3A = arith.divsi %arg1, %jit3A : i32
    %sign3A = arith.constant 0 : i32
    %sign3A_0 = arith.cmpi sgt, %arg1, %sign3A : i32
    %sign3A_1 = arith.extui %sign3A_0 : i1 to i32
    %sign3A_2 = arith.constant 0 : i32
    %sign3A_3 = arith.cmpi slt, %arg1, %sign3A_2 : i32
    %sign3A_4 = arith.extui %sign3A_3 : i1 to i32
    %sign3A_5 = arith.subi %sign3A_1, %sign3A_4 : i32
    %sign3A_6 = arith.constant 0 : i32
    %sign3A_7 = arith.cmpi sgt, %jit3A, %sign3A_6 : i32
    %sign3A_8 = arith.extui %sign3A_7 : i1 to i32
    %sign3A_9 = arith.constant 0 : i32
    %sign3A_10 = arith.cmpi slt, %jit3A, %sign3A_9 : i32
    %sign3A_11 = arith.extui %sign3A_10 : i1 to i32
    %sign3A_12 = arith.subi %sign3A_8, %sign3A_11 : i32
    %ne3A = arith.cmpi ne, %sign3A_5, %sign3A_12 : i32
    %rem3A = arith.remsi %arg1, %jit3A : i32
    %ne3A_13 = arith.constant 0 : i32
    %ne3A_14 = arith.cmpi ne, %rem3A, %ne3A_13 : i32
    %and3A = arith.andi %ne3A, %ne3A_14 : i1
    %sub3A = arith.constant 1 : i32
    %sub3A_15 = arith.subi %div3A, %sub3A : i32
    %select_n3A = arith.select %and3A, %sub3A_15, %div3A : i32
    %lt3A = arith.cmpi slt, %select_n3A, %arg0 : i32
    %sub3A_16 = arith.constant 1 : i32
    %sub3A_17 = arith.subi %select_n3A, %sub3A_16 : i32
    %select_n3A_18 = arith.select %lt3A, %select_n3A, %sub3A_17 : i32
    %get3A = arith.constant 0 : index
    %get3A_19 = arith.constant 0 : index
    %get3A_20 = arith.constant 0 : index
    %get3A_21 = vector.load %arg3[%get3A, %get3A_19, %get3A_20] : memref<1x96x16xf32, #tpu.memory_space<vmem>>, vector<1x64x16xf32>
    %get3A_22 = vector.shape_cast %get3A_21 : vector<1x64x16xf32> to vector<64x16xf32>
    %get3A_23 = arith.constant 0 : index
    %get3A_24 = arith.constant 64 : index
    %get3A_25 = arith.constant 0 : index
    %get3A_26 = vector.load %arg3[%get3A_23, %get3A_24, %get3A_25] : memref<1x96x16xf32, #tpu.memory_space<vmem>>, vector<1x16x16xf32>
    %get3A_27 = vector.shape_cast %get3A_26 : vector<1x16x16xf32> to vector<16x16xf32>
    %get3A_28 = arith.constant 0 : index
    %get3A_29 = arith.constant 80 : index
    %get3A_30 = arith.constant 0 : index
    %get3A_31 = vector.load %arg3[%get3A_28, %get3A_29, %get3A_30] : memref<1x96x16xf32, #tpu.memory_space<vmem>>, vector<1x16x16xf32>
    %get3A_32 = vector.shape_cast %get3A_31 : vector<1x16x16xf32> to vector<16x16xf32>
    %eq3A = arith.constant 0 : i32
    %eq3A_33 = arith.cmpi eq, %select_n3A_18, %eq3A : i32
    %select_n3A_34 = arith.select %eq3A_33, %get3A_27, %get3A_32 : vector<16x16xf32>
    %get3A_35 = arith.constant 0 : index
    %get3A_36 = arith.constant 0 : index
    %get3A_37 = arith.constant 0 : index
    %get3A_38 = vector.load %arg4[%get3A_35, %get3A_36, %get3A_37] : memref<1x64x16xf32, #tpu.memory_space<vmem>>, vector<1x64x16xf32>
    %get3A_39 = vector.shape_cast %get3A_38 : vector<1x64x16xf32> to vector<64x16xf32>
    %dot_general3A = arith.constant dense<0.000000e+00> : vector<64x16xf32>
    %dot_general3A_40 = tpu.matmul %get3A_39, %select_n3A_34, %dot_general3A {dimension_numbers = #tpu.dot_dimension_numbers<[1], [0], [0], [1], [0, 0, 1, 1], [], []>, transpose_lhs_hint = false} : vector<64x16xf32>, vector<16x16xf32>, vector<64x16xf32> -> vector<64x16xf32>
    %eq3A_41 = arith.cmpi eq, %select_n3A, %arg0 : i32
    %select_n3A_42 = arith.select %eq3A_41, %get3A_22, %dot_general3A_40 : vector<64x16xf32>
    %get3A_43 = arith.constant 0 : index
    %get3A_44 = arith.constant 0 : index
    %get3A_45 = vector.load %arg2[%get3A_43, %get3A_44] : memref<2000x64xf32, #tpu.memory_space<vmem>>, vector<2000x64xf32>
    %dot_general3A_46 = arith.constant dense<0.000000e+00> : vector<2000x16xf32>
    %dot_general3A_47 = tpu.matmul %get3A_45, %select_n3A_42, %dot_general3A_46 {dimension_numbers = #tpu.dot_dimension_numbers<[1], [0], [0], [1], [0, 0, 1, 1], [], []>, transpose_lhs_hint = false} : vector<2000x64xf32>, vector<64x16xf32>, vector<2000x16xf32> -> vector<2000x16xf32>
    %swap3A = arith.constant 0 : index
    %swap3A_48 = arith.constant 0 : index
    %swap3A_49 = arith.constant 0 : index
    %swap3A_50 = vector.load %arg5[%swap3A, %swap3A_48, %swap3A_49] : memref<1x2000x16xf32, #tpu.memory_space<vmem>>, vector<1x2000x16xf32>
    %swap3A_51 = vector.shape_cast %swap3A_50 : vector<1x2000x16xf32> to vector<2000x16xf32>
    %swap3A_52 = vector.shape_cast %dot_general3A_47 : vector<2000x16xf32> to vector<1x2000x16xf32>
    tpu.vector_store %arg5[%swap3A, %swap3A_48, %swap3A_49], %swap3A_52 {strides = array<i32>} : memref<1x2000x16xf32, #tpu.memory_space<vmem>>, vector<1x2000x16xf32>,
    return
  }
  func.func @transform_0(%arg0: i32, %arg1: i32) -> (i32, i32) {
    %c0_i32 = arith.constant 0 : i32
    %c0_i32_0 = arith.constant 0 : i32
    return %arg1, %c0_i32 : i32, i32
  }
  func.func @transform_1(%arg0: i32, %arg1: i32) -> (i32, i32, i32) {
    %c0_i32 = arith.constant 0 : i32
    %c0_i32_0 = arith.constant 0 : i32
    %c0_i32_1 = arith.constant 0 : i32
    return %arg0, %c0_i32, %c0_i32_0 : i32, i32, i32
  }
  func.func @transform_2(%arg0: i32, %arg1: i32) -> (i32, i32, i32) {
    %jit3A = arith.constant 2 : i32
    %div3A = arith.divsi %arg1, %jit3A : i32
    %sign3A = arith.constant 0 : i32
    %sign3A_0 = arith.cmpi sgt, %arg1, %sign3A : i32
    %sign3A_1 = arith.extui %sign3A_0 : i1 to i32
    %sign3A_2 = arith.constant 0 : i32
    %sign3A_3 = arith.cmpi slt, %arg1, %sign3A_2 : i32
    %sign3A_4 = arith.extui %sign3A_3 : i1 to i32
    %sign3A_5 = arith.subi %sign3A_1, %sign3A_4 : i32
    %sign3A_6 = arith.constant 0 : i32
    %sign3A_7 = arith.cmpi sgt, %jit3A, %sign3A_6 : i32
    %sign3A_8 = arith.extui %sign3A_7 : i1 to i32
    %sign3A_9 = arith.constant 0 : i32
    %sign3A_10 = arith.cmpi slt, %jit3A, %sign3A_9 : i32
    %sign3A_11 = arith.extui %sign3A_10 : i1 to i32
    %sign3A_12 = arith.subi %sign3A_8, %sign3A_11 : i32
    %ne3A = arith.cmpi ne, %sign3A_5, %sign3A_12 : i32
    %rem3A = arith.remsi %arg1, %jit3A : i32
    %ne3A_13 = arith.constant 0 : i32
    %ne3A_14 = arith.cmpi ne, %rem3A, %ne3A_13 : i32
    %and3A = arith.andi %ne3A, %ne3A_14 : i1
    %sub3A = arith.constant 1 : i32
    %sub3A_15 = arith.subi %div3A, %sub3A : i32
    %select_n3A = arith.select %and3A, %sub3A_15, %div3A : i32
    %c0_i32 = arith.constant 0 : i32
    %c0_i32_16 = arith.constant 0 : i32
    %c0_i32_17 = arith.constant 0 : i32
    return %select_n3A, %c0_i32, %c0_i32_16 : i32, i32, i32
  }
  func.func @transform_3(%arg0: i32, %arg1: i32) -> (i32, i32, i32) {
    %c0_i32 = arith.constant 0 : i32
    %c0_i32_0 = arith.constant 0 : i32
    return %arg0, %arg1, %c0_i32 : i32, i32, i32
  }
}

module attributes {stable_mosaic.version = 14 : i64} {
  func.func @_cls_body(%arg0: i32, %arg1: memref<1024x16xf32, #tpu.memory_space<vmem>>, %arg2: memref<1024x16xf32, #tpu.memory_space<vmem>>, %arg3: memref<1024x16xf32, #tpu.memory_space<vmem>>, %arg4: memref<1x16x1xf32, #tpu.memory_space<vmem>>, %arg5: memref<1024x1xf32, #tpu.memory_space<vmem>>) attributes {dimension_semantics = [#tpu.dimension_semantics<arbitrary>], iteration_bounds = array<i64: 48>, scalar_prefetch = 0 : i64, scratch_operands = 0 : i64, tpu.core_type = #tpu.core_type<tc>, window_params = [{transform_indices = @transform_0, window_bounds = array<i64: 1024, 16>}, {transform_indices = @transform_1, window_bounds = array<i64: 1024, 16>}, {transform_indices = @transform_2, window_bounds = array<i64: 1024, 16>}, {transform_indices = @transform_3, window_bounds = array<i64: 1, 16, 1>}, {transform_indices = @transform_4, window_bounds = array<i64: 1024, 1>}]} {
    %get3A = arith.constant 0 : index
    %get3A_0 = arith.constant 0 : index
    %get3A_1 = vector.load %arg1[%get3A, %get3A_0] : memref<1024x16xf32, #tpu.memory_space<vmem>>, vector<1024x16xf32>
    %get3A_2 = arith.constant 0 : index
    %get3A_3 = arith.constant 0 : index
    %get3A_4 = vector.load %arg2[%get3A_2, %get3A_3] : memref<1024x16xf32, #tpu.memory_space<vmem>>, vector<1024x16xf32>
    %add3A = arith.addf %get3A_1, %get3A_4 : vector<1024x16xf32>
    %get3A_5 = arith.constant 0 : index
    %get3A_6 = arith.constant 0 : index
    %get3A_7 = vector.load %arg3[%get3A_5, %get3A_6] : memref<1024x16xf32, #tpu.memory_space<vmem>>, vector<1024x16xf32>
    %add3A_8 = arith.addf %add3A, %get3A_7 : vector<1024x16xf32>
    %max3A = arith.constant 0.000000e+00 : f32
    %max3A_9 = vector.broadcast %max3A : f32 to vector<1024x16xf32>
    %max3A_10 = arith.maximumf %add3A_8, %max3A_9 : vector<1024x16xf32>
    %get3A_11 = arith.constant 0 : index
    %get3A_12 = arith.constant 0 : index
    %get3A_13 = arith.constant 0 : index
    %get3A_14 = vector.load %arg4[%get3A_11, %get3A_12, %get3A_13] : memref<1x16x1xf32, #tpu.memory_space<vmem>>, vector<1x16x1xf32>
    %get3A_15 = vector.shape_cast %get3A_14 : vector<1x16x1xf32> to vector<16x1xf32>
    %dot_general3A = arith.constant dense<0.000000e+00> : vector<1024x1xf32>
    %dot_general3A_16 = tpu.matmul %max3A_10, %get3A_15, %dot_general3A {dimension_numbers = #tpu.dot_dimension_numbers<[1], [0], [0], [1], [0, 0, 1, 1], [], []>, transpose_lhs_hint = false} : vector<1024x16xf32>, vector<16x1xf32>, vector<1024x1xf32> -> vector<1024x1xf32>
    %logistic3A = arith.negf %dot_general3A_16 : vector<1024x1xf32>
    %logistic3A_17 = math.exp %logistic3A : vector<1024x1xf32>
    %logistic3A_18 = arith.constant 1.000000e+00 : f32
    %logistic3A_19 = vector.broadcast %logistic3A_18 : f32 to vector<1024x1xf32>
    %logistic3A_20 = arith.addf %logistic3A_19, %logistic3A_17 : vector<1024x1xf32>
    %logistic3A_21 = arith.divf %logistic3A_19, %logistic3A_20 : vector<1024x1xf32>
    %swap3A = arith.constant 0 : index
    %swap3A_22 = arith.constant 0 : index
    %swap3A_23 = vector.load %arg5[%swap3A, %swap3A_22] : memref<1024x1xf32, #tpu.memory_space<vmem>>, vector<1024x1xf32>
    tpu.vector_store %arg5[%swap3A, %swap3A_22], %logistic3A_21 {strides = array<i32>} : memref<1024x1xf32, #tpu.memory_space<vmem>>, vector<1024x1xf32>,
    return
  }
  func.func @transform_0(%arg0: i32) -> (i32, i32) {
    %c0_i32 = arith.constant 0 : i32
    %c0_i32_0 = arith.constant 0 : i32
    return %arg0, %c0_i32 : i32, i32
  }
  func.func @transform_1(%arg0: i32) -> (i32, i32) {
    %c0_i32 = arith.constant 0 : i32
    %c0_i32_0 = arith.constant 0 : i32
    return %arg0, %c0_i32 : i32, i32
  }
  func.func @transform_2(%arg0: i32) -> (i32, i32) {
    %c0_i32 = arith.constant 0 : i32
    %c0_i32_0 = arith.constant 0 : i32
    return %arg0, %c0_i32 : i32, i32
  }
  func.func @transform_3(%arg0: i32) -> (i32, i32, i32) {
    %jit3A = arith.constant 16 : i32
    %div3A = arith.divsi %arg0, %jit3A : i32
    %sign3A = arith.constant 0 : i32
    %sign3A_0 = arith.cmpi sgt, %arg0, %sign3A : i32
    %sign3A_1 = arith.extui %sign3A_0 : i1 to i32
    %sign3A_2 = arith.constant 0 : i32
    %sign3A_3 = arith.cmpi slt, %arg0, %sign3A_2 : i32
    %sign3A_4 = arith.extui %sign3A_3 : i1 to i32
    %sign3A_5 = arith.subi %sign3A_1, %sign3A_4 : i32
    %sign3A_6 = arith.constant 0 : i32
    %sign3A_7 = arith.cmpi sgt, %jit3A, %sign3A_6 : i32
    %sign3A_8 = arith.extui %sign3A_7 : i1 to i32
    %sign3A_9 = arith.constant 0 : i32
    %sign3A_10 = arith.cmpi slt, %jit3A, %sign3A_9 : i32
    %sign3A_11 = arith.extui %sign3A_10 : i1 to i32
    %sign3A_12 = arith.subi %sign3A_8, %sign3A_11 : i32
    %ne3A = arith.cmpi ne, %sign3A_5, %sign3A_12 : i32
    %rem3A = arith.remsi %arg0, %jit3A : i32
    %ne3A_13 = arith.constant 0 : i32
    %ne3A_14 = arith.cmpi ne, %rem3A, %ne3A_13 : i32
    %and3A = arith.andi %ne3A, %ne3A_14 : i1
    %sub3A = arith.constant 1 : i32
    %sub3A_15 = arith.subi %div3A, %sub3A : i32
    %select_n3A = arith.select %and3A, %sub3A_15, %div3A : i32
    %c0_i32 = arith.constant 0 : i32
    %c0_i32_16 = arith.constant 0 : i32
    %c0_i32_17 = arith.constant 0 : i32
    return %select_n3A, %c0_i32, %c0_i32_16 : i32, i32, i32
  }
  func.func @transform_4(%arg0: i32) -> (i32, i32) {
    %c0_i32 = arith.constant 0 : i32
    %c0_i32_0 = arith.constant 0 : i32
    return %arg0, %c0_i32 : i32, i32
  }
}

</mosaic_0001>

<sc_bundles>
// kernel: kernel.11.cloned.1.call-start
scs
__scs_entry_jumppad:
0x0: {  	(pc) =	sbr.rel $0x88, $3  }
0x1: {  	(tag) =	ssettag $0x0;
	lr =	simm.s32 $0x1  }
0x2: {  	[smem:$0x3F86] =	sst lr;
	_ =	strace $0xD0000000  }
0x3: {  	_ = 	snop  }
0x4: {  	_ = 	snop  }
0x5: {  	_ = 	snop  }
0x6: {  	_ = 	snop  }
0x7: {  	_ = 	snop  }
__scs_overlays_trampoline_lowered:
0x8: {  	[smem:$0x3F95] =	sst s0  }
0x9: {  	[smem:$0x3F96] =	sst s1  }
0xa: {  	[smem:$0x3F97] =	sst s2  }
0xb: {  	[smem:$0x3F98] =	sst s3  }
0xc: {  	[smem:$0x3F99] =	sst s4  }
0xd: {  	[smem:$0x3F9A] =	sst s5  }
0xe: {  	[smem:$0x3F9B] =	sst s6  }
0xf: {  	[smem:$0x3F9C] =	sst s7  }
0x10: {  	[smem:$0x3F9D] =	sst s8  }
0x11: {  	[smem:$0x3F9E] =	sst s9;
	s0 =	simm.s32 @!p0 $0x0  }
0x12: {  	s1 =	sld [smem:$0x3F84];
	s0 =	simm.s32 @p0 $0x1  }
0x13: {  	[smem:$0x3F9F] =	sst s0;
	s0 =	simm.s32 @!p1 $0x0  }
0x14: {  	s2 =	sld [smem:$0x3F83];
	s0 =	simm.s32 @p1 $0x1  }
0x15: {  	[smem:$0x3FA0] =	sst s0;
	s0 =	simm.s32 @!p2 $0x0  }
0x16: {  	s3 =	sld [smem:$0x3FDB];
	s0 =	simm.s32 @p2 $0x1  }
0x17: {  	s4 =	simm.s32 $0x1BF5;
	[smem:$0x3FA2] =	sst s0  }
0x18: {  	s0 =	sld [smem:$0x3F85];
	_ =	swait.ge [sflag:s4], $0x0  }
0x19: {  	s7 =	sld [smem:$0x3F86]  }
0x1a: {  	s8 =	sadd.s32 $0xFFFFE003, lr  }
0x1b: {  	s9 =	sadd.s32 $0xFFFFFEF7, lr;
	s5 =	simm.s32 $0xFFFFFFFF;
	p2 =	slt.u32 s8, $0xFFFFF086  }
0x1c: {  	p1 =	slt.u32 s9, $0xF7A;
	s5 =	simm.s32 @!p2 $0x0  }
0x1d: {  	s5 =	simm.s32 @p1 $0x1;
	p0 =	seq.s32 s7, s2  }
0x1e: {  	s7 =	smul.u32 @!p0 $0xF7A, s2;
	p2 =	seq.s32 @!p0 s5, $0x0  }
0x1f: {  	s9 =	smul.u32 $0xF7A, s1;
	s8 =	simm.s32 @!p0 $0x1BF5;
	p2 =	por !p2, p0  }
0x20: {  	[sflag:s8] =	ssyncset.s32 @!p0 $0xFFFFF086;
	s6 =	sadd.s32 @!p0 s3, s7;
	s7 =	simm.s32 @!p0 $0x108  }
0x21: {  	s3 =	sadd.s32 s3, s9;
	s6 =	sadd.s32 @!p0 $0x88, s6;
	s7 =	simm.s32 @p2 $0x1082  }
0x22: {  	[simem:s7], [sflag:s8] =	dma.local @!p0 [hbm:s6], $0xF7A  }
0x23: {  	s9 =	sor.u32 $0xD0000000, s2;
	s6 =	simm.s32 $0x108;
	_ =	swait.ge @!p0 [sflag:s8], $0x0  }
0x24: {  	s3 =	sadd.s32 $0x88, s3;
	s6 =	simm.s32 @!p1 $0x1082;
	[sflag:s4] =	ssyncset.s32 $0xFFFFF086  }
0x25: {  	[simem:s6], [sflag:s4] =	dma.local [hbm:s3], $0xF7A  }
0x26: {  	[smem:$0x3F86] =	sst s1;
	(tag) =	ssettag s2;
	_ =	strace s9  }
0x27: {  	s1 =	sld [smem:$0x3F96]  }
0x28: {  	s2 =	sld [smem:$0x3F97]  }
0x29: {  	s4 =	sld [smem:$0x3F99]  }
0x2a: {  	p0 =	seq.s32 s5, $0x0;
	s5 =	sld [smem:$0x3F9A]  }
0x2b: {  	s6 =	sld [smem:$0x3F9B]  }
0x2c: {  	s7 =	sld [smem:$0x3F9C]  }
0x2d: {  	s3 =	simm.s32 $0x108;
	s8 =	sld [smem:$0x3F9D]  }
0x2e: {  	s3 =	simm.s32 @!p0 $0x1082;
	s9 =	sld [smem:$0x3F9E]  }
0x2f: {  	lr =	sadd.s32 s0, s3;
	s0 =	sld [smem:$0x3F95]  }
0x30: {  	s3 =	sld [smem:$0x3F98]  }
0x31: {  	[smem:$0x3FA1] =	sst s10  }
0x32: {  	s10 =	sld [smem:$0x3F9F];
	_ =	sdelay $0x3  }
0x33: {  	p0 =	seq.s32 s10, $0x1;
	s10 =	sld [smem:$0x3FA1];
	_ =	sdelay $0x3  }
0x34: {  	[smem:$0x3FA1] =	sst s10  }
0x35: {  	s10 =	sld [smem:$0x3FA0];
	_ =	sdelay $0x3  }
0x36: {  	p1 =	seq.s32 s10, $0x1;
	s10 =	sld [smem:$0x3FA1];
	_ =	sdelay $0x3  }
0x37: {  	[smem:$0x3FA1] =	sst s10  }
0x38: {  	s10 =	sld [smem:$0x3FA2]  }
0x39: {  	_ = 	snop;
	(pc) =	sbr.ind lr, $3  }
0x3a: {  	_ = 	snop  }
0x3b: {  	_ = 	snop  }
0x3c: {  	p2 =	seq.s32 s10, $0x1;
	s10 =	sld [smem:$0x3FA1]  }
0x3d: {  	_ =	shalt  }
0x3e: {  	_ =	shalt  }
0x3f: {  	_ =	shalt  }
0x40: {  	_ =	shalt  }
0x41: {  	_ =	shalt  }
0x42: {  	_ =	shalt  }
0x43: {  	_ =	shalt  }
0x44: {  	_ =	shalt  }
0x45: {  	_ =	shalt  }
0x46: {  	_ =	shalt  }
0x47: {  	_ =	shalt  }
0x48: {  	_ =	shalt  }
0x49: {  	_ =	shalt  }
0x4a: {  	_ =	shalt  }
0x4b: {  	_ =	shalt  }
0x4c: {  	_ =	shalt  }
0x4d: {  	_ =	shalt  }
0x4e: {  	_ =	shalt  }
0x4f: {  	_ =	shalt  }
0x50: {  	_ =	shalt  }
0x51: {  	_ =	shalt  }
0x52: {  	_ =	shalt  }
0x53: {  	_ =	shalt  }
0x54: {  	_ =	shalt  }
0x55: {  	_ =	shalt  }
0x56: {  	_ =	shalt  }
0x57: {  	_ =	shalt  }
0x58: {  	_ =	shalt  }
0x59: {  	_ =	shalt  }
0x5a: {  	_ =	shalt  }
0x5b: {  	_ =	shalt  }
0x5c: {  	_ =	shalt  }
0x5d: {  	_ =	shalt  }
0x5e: {  	_ =	shalt  }
0x5f: {  	_ =	shalt  }
0x60: {  	_ =	shalt  }
0x61: {  	_ =	shalt  }
0x62: {  	_ =	shalt  }
0x63: {  	_ =	shalt  }
0x64: {  	_ =	shalt  }
0x65: {  	_ =	shalt  }
0x66: {  	_ =	shalt  }
0x67: {  	_ =	shalt  }
0x68: {  	_ =	shalt  }
0x69: {  	_ =	shalt  }
0x6a: {  	_ =	shalt  }
0x6b: {  	_ =	shalt  }
0x6c: {  	_ =	shalt  }
0x6d: {  	_ =	shalt  }
0x6e: {  	_ =	shalt  }
0x6f: {  	_ =	shalt  }
0x70: {  	_ =	shalt  }
0x71: {  	_ =	shalt  }
0x72: {  	_ =	shalt  }
0x73: {  	_ =	shalt  }
0x74: {  	_ =	shalt  }
0x75: {  	_ =	shalt  }
0x76: {  	_ =	shalt  }
0x77: {  	_ =	shalt  }
0x78: {  	_ =	shalt  }
0x79: {  	_ =	shalt  }
0x7a: {  	_ =	shalt  }
0x7b: {  	_ =	shalt  }
0x7c: {  	_ =	shalt  }
0x7d: {  	_ =	shalt  }
0x7e: {  	_ =	shalt  }
0x7f: {  	_ =	shalt  }
0x80: {  	_ =	shalt  }
0x81: {  	_ =	shalt  }
0x82: {  	_ =	shalt  }
0x83: {  	_ =	shalt  }
0x84: {  	_ =	shalt  }
0x85: {  	_ =	shalt  }
0x86: {  	_ =	shalt  }
0x87: {  	_ =	shalt  }
.Lfunc_end0:
.L_simem_size_0:
called_computation.1_lowered:
.L_overlay_start_0:
0x88: {  	s2 =	sld [smem:$0x3FD9]  }
0x89: {  	s3 =	sld [smem:$0x3FFE];
	_ =	sdelay $0x1  }
0x8a: {  	s1 =	srdreg.scid  }
0x8b: {  	s0 =	sand.u32 $0x1, s1  }
0x8c: {  	s16 =	sshll.u32 s0, $0xA;
	s2 =	sadd.s32 s3, s2  }
0x8d: {  	s2 =	sadd.s32 s2, s16  }
0x8e: {  	[smem:$0x3FAD] =	sst s2  }
0x8f: {  	_ = 	snop  }
0x90: {  	(tm) =	ssettm $0x1  }
0x91: {  	s17 =	sld [smem:$0x3FFB];
	_ =	sdelay $0x3  }
0x92: {  	_ =	strace s17  }
0x93: {  	s2 =	sld [smem:$0x3FFC];
	_ =	sdelay $0x3  }
0x94: {  	_ =	strace s2  }
0x95: {  	s2 =	sld [smem:$0x3FFD];
	_ =	sdelay $0x3  }
0x96: {  	_ =	strace s2  }
0x97: {  	_ =	strace $0x8FFFFFFF  }
0x98: {  	s18 =	sld [smem:$0x3FDB];
	_ =	sdelay $0x1  }
0x99: {  	s19 =	simm.s32 $_scs_section_size  }
0x9a: {  	s4 =	simm.s32 $_size__tile_overlayer_lowered;
	s5 =	simm.s32 $_tile_overlayer_lowered  }
0x9b: {  	s22 =	simm.s32 $0x1BFF;
	s21 =	sshll.u32 s5, $0x1;
	s2 =	sadd.s32 s19, s18  }
0x9c: {  	s6 =	simm.s32 $0x0;
	s20 =	sshll.u32 s4, $0x1;
	s4 =	sadd.s32 s21, s2  }
0x9d: {  	[timem:s6], [sflag:s22] =	dma.local [hbm:s4], s20  }
0x9e: {  	_ =	swait.ge [sflag:s22], s20  }
0x9f: {  	s3 =	ssub.s32 $0x0, s20;
	[sflag:s22] =	ssyncset.done $0x0  }
0xa0: {  	[sflag:s22] =	ssyncadd.s32 s3;
	_ =	sdelay $0x1  }
0xa1: {  	s23 =	simm.s32 $0x1B8B  }
0xa2: {  	_ =	swait.ge [sflag:s23], $0x1  }
0xa3: {  	[sflag:s23] =	ssyncset.done $0x0  }
0xa4: {  	s25 =	simm.s32 $0x1B8E;
	s24 =	sld [smem:$0x3FFE];
	[sflag:s23] =	ssyncadd.s32 $0xFFFFFFFF  }
0xa5: {  	s26 =	simm.s32 $execute0_lowered;
	[smem:$0x3FD2] =	sst s25  }
0xa6: {  	s4 =	sshll.u32 s26, $0x1;
	_ =	strace $0x80000049;
	[dreg:$0x1] =	wrdreg $0xFFFFFFFF  }
0xa7: {  	s28 =	simm.s32 $_size_execute0_lowered;
	s2 =	sadd.s32 s2, s4;
	[dreg:$0x0] =	wrdreg $0x0  }
0xa8: {  	s4 =	sshll.u32 s28, $0x1;
	[dreg:$0x2] =	wrdreg s2  }
0xa9: {  	[dreg:$0x3] =	wrdreg s4  }
0xaa: {  	[dreg:$0x4] =	wrdreg $0xC0  }
0xab: {  	_ =	task [dreg:s6], $0x5FFFF  }
0xac: {  	[dreg:$0x1] =	wrdreg $0xFFFFFFFF  }
0xad: {  	[dreg:$0x0] =	wrdreg $0x60  }
0xae: {  	[dreg:$0x2] =	wrdreg s24  }
0xaf: {  	[dreg:$0x3] =	wrdreg $0x9  }
0xb0: {  	_ =	task.clear_ibuf [dreg:s6], $0x4FFFF;
	_ =	strace $0x90000049  }
0xb1: {  	s29 =	simm.s32 $0x9;
	_ =	strace $0x8000004B  }
0xb2: {  	_ =	swait.ge [sflag:s29], $0x1  }
0xb3: {  	[sflag:s29] =	ssyncadd.s32 $0xFFFFFFFF  }
0xb4: {  	_ =	strace $0x9000004B  }
0xb5: {  	_ =	sfence  }
0xb6: {  	s30 =	sld [smem:$0x0];
	_ =	sdelay $0x2  }
0xb7: {  	s31 =	sshll.u32 s1, $0xD;
	s1 =	sshrl.u32 s1, $0x2  }
0xb8: {  	s3 =	sand.u32 $0x4000, s31;
	s1 =	sadd.s32 s1, s30  }
0xb9: {  	s0 =	sor.u32 s3, s0;
	s1 =	sshll.u32 s1, $0x11  }
0xba: {  	s0 =	sor.u32 s1, s0  }
0xbb: {  	s0 =	sadd.s32 $0x8F2B, s0  }
0xbc: {  	[sflag:s0] =	ssyncadd.remote.s32 $0x1  }
0xbd: {  	_ =	sfence.sel $0xFFFF  }
0xbe: {  	[dreg:$0x0] =	wrdreg $0xFFFFFFFF;
	(pc) =	sbr.abs _section_cstart, $3  }
0xbf: {  	[dreg:$0x1] =	wrdreg $0xFFFFFFFF  }
0xc0: {  	_ =	task.clear_ibuf [dreg:s6], $0x2FFFF;
	_ =	strace $0x9FFFFFFF  }
0xc1: {  	(tm) =	ssettm $0x7FFFFFFF  }
tec
execute0_lowered:
.L_overlay_start_1:
0x0: {  	(tag) =	ssettag $0x1  }
0x1: {  	s0 =	srdreg.scid;
	s5 =	rddreg [dreg:$0x0]  }
0x2: {  	s2 =	simm.s32 $0x0;
	s8 =	simm.s32 $0x80;
	s4 =	sand.u32 $0x1, s0  }
0x3: {  	s9 =	simm.s32 $0x1;
	s0 =	stileid.u32;
	s1 =	sshll.u32 s4, $0x4  }
0x4: {  	s10 =	simm.s32 $0x1200;
	s11 =	simm.s32 $0x0;
	s3 =	sor.u32 s0, s1  }
0x5: {  	[smem:$0x7FF] =	sst s2;
	s4 =	ssub.s32 $0x2, s4;
	s6 =	smul.u32 $0x240, s3  }
0x6: {  	s1 =	rddreg [dreg:$0x1];
	_ =	strace $0x8000004A;
	s7 =	smul.u32 $0x2400, s3  }
0x7: {  	s31 =	sshrl.u32 s4, $0x1;
	s3 =	sadd.s32 $0x2A00, s5;
	s6 =	sadd.s32 s6, s5  }
0x8: {  	s5 =	sadd.s32 s7, s5;
	s7 =	ssub.s32 s4, s31;
	s4 =	sadd.s32 $0x52A00, s6  }
0x9: {  	s5 =	sadd.s32 $0x57200, s5;
	s6 =	smax.u32 s7, $0x1;
	s7 =	simm.s32 $0x2  }
.LBB2_1:
0xa: {  	[tilespmem:s2], [sflag:$0x2] =	stream.linear.gather [hbm4b:s4+s2], $0x1200, $0x38;
	[tilespmem:$0x13200] =	vst v63  }
0xb: {  	_ =	swait.ge [sflag:s7], $0x1200  }
0xc: {  	[sflag:s7] =	ssyncset.done $0x0  }
0xd: {  	s12 =	simm.s32 $0x0;
	[sflag:s7] =	ssyncadd.s32 $0xFFFFEE00  }
0xe: {  	[tilespmem:s10], [sflag:$0x1] =	stream.indirect.gather [hbm4b:s3+s8], $0x10, s12, s8, $0xb8;
	[tilespmem:$0x13200] =	vst v63  }
0xf: {  	_ =	swait.ge [sflag:s9], $0x800  }
0x10: {  	s13 =	simm.s32 $0x1200;
	s12 =	simm.s32 $0x200;
	[sflag:s9] =	ssyncset.done $0x0  }
.LBB2_2:
0x11: {  	s14 =	sshra.s32 s12, $0x2  }
0x12: {  	[sflag:s9] =	ssyncadd.s32 $0xFFFFF800;
	s13 =	sadd.s32 $0x800, s13;
	p0 =	sne.s32 s12, $0x4600  }
0x13: {  	[tilespmem:s13], [sflag:$0x1] =	stream.indirect.gather [hbm4b:s3+s8], $0x10, s14, s8, $0xb8;
	[tilespmem:$0x13200] =	vst v63  }
.Ltmp0:
0x14: {  	_ = 	snop;
	(pc) =	sbr.rel @p0 .LBB2_2-.Ltmp0, $4  }
0x15: {  	_ = 	snop  }
0x16: {  	s12 =	sadd.s32 $0x200, s12  }
0x17: {  	_ =	swait.ge [sflag:s9], $0x800  }
0x18: {  	[sflag:s9] =	ssyncset.done $0x0  }
0x19: {  	s11 =	sadd.s32 $0x1, s11  }
0x1a: {  	p0 =	sne.s32 s11, s6  }
.Ltmp1:
0x1b: {  	[sflag:s9] =	ssyncadd.s32 $0xFFFFF800;
	(pc) =	sbr.rel @p0 .LBB2_1-.Ltmp1, $4  }
0x1c: {  	[hbm4b:s5+s2] =	stream.linear.scatter [tilespmem:s10], [sflag:$0x2], $0x12000, $0x38;
	[tilespmem:$0x13200] =	vst v63  }
0x1d: {  	_ =	swait.ge [sflag:s7], $0x12000  }
0x1e: {  	[sflag:s7] =	ssyncset.done $0x0  }
0x1f: {  	[sflag:s7] =	ssyncadd.s32 $0xFFFEE000  }
0x20: {  	_ =	sfence.sel $0x180000  }
0x21: {  	[bflag:$0x0] =	sbarrier.arrive $0xFFFF  }
0x22: {  	p0 =	sne.s32 s0, $0x0;
	_ =	strace $0x9000004A  }
0x23: {  	s0 =	sadd.s32 @!p0 $0x100000, s1;
	[bflag:$0x2] =	sbarrier.arrive $0xFFFF  }
0x24: {  	[sflag:s0] =	ssyncadd.tile.s32 @!p0 $0x1;
	_ =	shalt  }
.Lfunc_end2:
_tile_overlayer_lowered:
.L_overlay_start_2:
0x25: {  	(tag) =	ssettag $0x2  }
0x26: {  	s0 =	rddreg [dreg:$0x0];
	s2 =	stileid.u32  }
0x27: {  	s1 =	rddreg [dreg:$0x1];
	p0 =	sne.s32 s2, $0x0  }
0x28: {  	s3 =	rddreg [dreg:$0x2];
	[bflag:$0x3] =	sbarrier.arrive $0xFFFF;
	s2 =	simm.s32 @!p0 $0x1C02  }
0x29: {  	[timem:s3], [sflag:s2] =	dma.local @!p0 [hbm:s0], s1  }
0x2a: {  	s0 =	simm.s32 @!p0 $0x2  }
0x2b: {  	_ =	swait.ge @!p0 [sflag:s0], s1  }
0x2c: {  	s1 =	ssub.s32 @!p0 $0x0, s1;
	[sflag:s0] =	ssyncset.done @!p0 $0x0  }
0x2d: {  	[sflag:s0] =	ssyncadd.s32 @!p0 s1  }
0x2e: {  	[bflag:$0x3] =	sbarrier.arrive $0xFFFF  }
0x2f: {  	_ =	shalt  }

// kernel: kernel.8.cloned.1.call-start
scs
__scs_entry_jumppad:
0x0: {  	(pc) =	sbr.rel $0x88, $3  }
0x1: {  	(tag) =	ssettag $0x0;
	lr =	simm.s32 $0x1  }
0x2: {  	[smem:$0x3F86] =	sst lr;
	_ =	strace $0xD0000000  }
0x3: {  	_ = 	snop  }
0x4: {  	_ = 	snop  }
0x5: {  	_ = 	snop  }
0x6: {  	_ = 	snop  }
0x7: {  	_ = 	snop  }
__scs_overlays_trampoline_lowered:
0x8: {  	[smem:$0x3F95] =	sst s0  }
0x9: {  	[smem:$0x3F96] =	sst s1  }
0xa: {  	[smem:$0x3F97] =	sst s2  }
0xb: {  	[smem:$0x3F98] =	sst s3  }
0xc: {  	[smem:$0x3F99] =	sst s4  }
0xd: {  	[smem:$0x3F9A] =	sst s5  }
0xe: {  	[smem:$0x3F9B] =	sst s6  }
0xf: {  	[smem:$0x3F9C] =	sst s7  }
0x10: {  	[smem:$0x3F9D] =	sst s8  }
0x11: {  	[smem:$0x3F9E] =	sst s9;
	s0 =	simm.s32 @!p0 $0x0  }
0x12: {  	s1 =	sld [smem:$0x3F84];
	s0 =	simm.s32 @p0 $0x1  }
0x13: {  	[smem:$0x3F9F] =	sst s0;
	s0 =	simm.s32 @!p1 $0x0  }
0x14: {  	s2 =	sld [smem:$0x3F83];
	s0 =	simm.s32 @p1 $0x1  }
0x15: {  	[smem:$0x3FA0] =	sst s0;
	s0 =	simm.s32 @!p2 $0x0  }
0x16: {  	s3 =	sld [smem:$0x3FDB];
	s0 =	simm.s32 @p2 $0x1  }
0x17: {  	s4 =	simm.s32 $0x1BF5;
	[smem:$0x3FA2] =	sst s0  }
0x18: {  	s0 =	sld [smem:$0x3F85];
	_ =	swait.ge [sflag:s4], $0x0  }
0x19: {  	s7 =	sld [smem:$0x3F86]  }
0x1a: {  	s8 =	sadd.s32 $0xFFFFE003, lr  }
0x1b: {  	s9 =	sadd.s32 $0xFFFFFEF7, lr;
	s5 =	simm.s32 $0xFFFFFFFF;
	p2 =	slt.u32 s8, $0xFFFFF086  }
0x1c: {  	p1 =	slt.u32 s9, $0xF7A;
	s5 =	simm.s32 @!p2 $0x0  }
0x1d: {  	s5 =	simm.s32 @p1 $0x1;
	p0 =	seq.s32 s7, s2  }
0x1e: {  	s7 =	smul.u32 @!p0 $0xF7A, s2;
	p2 =	seq.s32 @!p0 s5, $0x0  }
0x1f: {  	s9 =	smul.u32 $0xF7A, s1;
	s8 =	simm.s32 @!p0 $0x1BF5;
	p2 =	por !p2, p0  }
0x20: {  	[sflag:s8] =	ssyncset.s32 @!p0 $0xFFFFF086;
	s6 =	sadd.s32 @!p0 s3, s7;
	s7 =	simm.s32 @!p0 $0x108  }
0x21: {  	s3 =	sadd.s32 s3, s9;
	s6 =	sadd.s32 @!p0 $0x88, s6;
	s7 =	simm.s32 @p2 $0x1082  }
0x22: {  	[simem:s7], [sflag:s8] =	dma.local @!p0 [hbm:s6], $0xF7A  }
0x23: {  	s9 =	sor.u32 $0xD0000000, s2;
	s6 =	simm.s32 $0x108;
	_ =	swait.ge @!p0 [sflag:s8], $0x0  }
0x24: {  	s3 =	sadd.s32 $0x88, s3;
	s6 =	simm.s32 @!p1 $0x1082;
	[sflag:s4] =	ssyncset.s32 $0xFFFFF086  }
0x25: {  	[simem:s6], [sflag:s4] =	dma.local [hbm:s3], $0xF7A  }
0x26: {  	[smem:$0x3F86] =	sst s1;
	(tag) =	ssettag s2;
	_ =	strace s9  }
0x27: {  	s1 =	sld [smem:$0x3F96]  }
0x28: {  	s2 =	sld [smem:$0x3F97]  }
0x29: {  	s4 =	sld [smem:$0x3F99]  }
0x2a: {  	p0 =	seq.s32 s5, $0x0;
	s5 =	sld [smem:$0x3F9A]  }
0x2b: {  	s6 =	sld [smem:$0x3F9B]  }
0x2c: {  	s7 =	sld [smem:$0x3F9C]  }
0x2d: {  	s3 =	simm.s32 $0x108;
	s8 =	sld [smem:$0x3F9D]  }
0x2e: {  	s3 =	simm.s32 @!p0 $0x1082;
	s9 =	sld [smem:$0x3F9E]  }
0x2f: {  	lr =	sadd.s32 s0, s3;
	s0 =	sld [smem:$0x3F95]  }
0x30: {  	s3 =	sld [smem:$0x3F98]  }
0x31: {  	[smem:$0x3FA1] =	sst s10  }
0x32: {  	s10 =	sld [smem:$0x3F9F];
	_ =	sdelay $0x3  }
0x33: {  	p0 =	seq.s32 s10, $0x1;
	s10 =	sld [smem:$0x3FA1];
	_ =	sdelay $0x3  }
0x34: {  	[smem:$0x3FA1] =	sst s10  }
0x35: {  	s10 =	sld [smem:$0x3FA0];
	_ =	sdelay $0x3  }
0x36: {  	p1 =	seq.s32 s10, $0x1;
	s10 =	sld [smem:$0x3FA1];
	_ =	sdelay $0x3  }
0x37: {  	[smem:$0x3FA1] =	sst s10  }
0x38: {  	s10 =	sld [smem:$0x3FA2]  }
0x39: {  	_ = 	snop;
	(pc) =	sbr.ind lr, $3  }
0x3a: {  	_ = 	snop  }
0x3b: {  	_ = 	snop  }
0x3c: {  	p2 =	seq.s32 s10, $0x1;
	s10 =	sld [smem:$0x3FA1]  }
0x3d: {  	_ =	shalt  }
0x3e: {  	_ =	shalt  }
0x3f: {  	_ =	shalt  }
0x40: {  	_ =	shalt  }
0x41: {  	_ =	shalt  }
0x42: {  	_ =	shalt  }
0x43: {  	_ =	shalt  }
0x44: {  	_ =	shalt  }
0x45: {  	_ =	shalt  }
0x46: {  	_ =	shalt  }
0x47: {  	_ =	shalt  }
0x48: {  	_ =	shalt  }
0x49: {  	_ =	shalt  }
0x4a: {  	_ =	shalt  }
0x4b: {  	_ =	shalt  }
0x4c: {  	_ =	shalt  }
0x4d: {  	_ =	shalt  }
0x4e: {  	_ =	shalt  }
0x4f: {  	_ =	shalt  }
0x50: {  	_ =	shalt  }
0x51: {  	_ =	shalt  }
0x52: {  	_ =	shalt  }
0x53: {  	_ =	shalt  }
0x54: {  	_ =	shalt  }
0x55: {  	_ =	shalt  }
0x56: {  	_ =	shalt  }
0x57: {  	_ =	shalt  }
0x58: {  	_ =	shalt  }
0x59: {  	_ =	shalt  }
0x5a: {  	_ =	shalt  }
0x5b: {  	_ =	shalt  }
0x5c: {  	_ =	shalt  }
0x5d: {  	_ =	shalt  }
0x5e: {  	_ =	shalt  }
0x5f: {  	_ =	shalt  }
0x60: {  	_ =	shalt  }
0x61: {  	_ =	shalt  }
0x62: {  	_ =	shalt  }
0x63: {  	_ =	shalt  }
0x64: {  	_ =	shalt  }
0x65: {  	_ =	shalt  }
0x66: {  	_ =	shalt  }
0x67: {  	_ =	shalt  }
0x68: {  	_ =	shalt  }
0x69: {  	_ =	shalt  }
0x6a: {  	_ =	shalt  }
0x6b: {  	_ =	shalt  }
0x6c: {  	_ =	shalt  }
0x6d: {  	_ =	shalt  }
0x6e: {  	_ =	shalt  }
0x6f: {  	_ =	shalt  }
0x70: {  	_ =	shalt  }
0x71: {  	_ =	shalt  }
0x72: {  	_ =	shalt  }
0x73: {  	_ =	shalt  }
0x74: {  	_ =	shalt  }
0x75: {  	_ =	shalt  }
0x76: {  	_ =	shalt  }
0x77: {  	_ =	shalt  }
0x78: {  	_ =	shalt  }
0x79: {  	_ =	shalt  }
0x7a: {  	_ =	shalt  }
0x7b: {  	_ =	shalt  }
0x7c: {  	_ =	shalt  }
0x7d: {  	_ =	shalt  }
0x7e: {  	_ =	shalt  }
0x7f: {  	_ =	shalt  }
0x80: {  	_ =	shalt  }
0x81: {  	_ =	shalt  }
0x82: {  	_ =	shalt  }
0x83: {  	_ =	shalt  }
0x84: {  	_ =	shalt  }
0x85: {  	_ =	shalt  }
0x86: {  	_ =	shalt  }
0x87: {  	_ =	shalt  }
.Lfunc_end0:
.L_simem_size_0:
called_computation_lowered:
.L_overlay_start_0:
0x88: {  	s2 =	sld [smem:$0x3FD9]  }
0x89: {  	s3 =	sld [smem:$0x3FFE];
	_ =	sdelay $0x1  }
0x8a: {  	s1 =	srdreg.scid  }
0x8b: {  	s0 =	sand.u32 $0x1, s1  }
0x8c: {  	s14 =	sshll.u32 s0, $0xA;
	s2 =	sadd.s32 s3, s2  }
0x8d: {  	s2 =	sadd.s32 s2, s14  }
0x8e: {  	[smem:$0x3FAD] =	sst s2  }
0x8f: {  	_ = 	snop  }
0x90: {  	s2 =	sld [smem:$0x3FD0];
	_ =	sdelay $0x2  }
0x91: {  	s15 =	simm.s32 $0xA;
	s4 =	simm.s32 $0x10  }
0x92: {  	[smem:s4], [sflag:s15] =	dma.local [hbm:s2], $0x1  }
0x93: {  	_ =	swait.eq [sflag:s15], $0x1  }
0x94: {  	[sflag:s15] =	ssyncset.done $0x0  }
0x95: {  	[sflag:s15] =	ssyncadd.s32 $0xFFFFFFFF  }
0x96: {  	s16 =	sld [smem:$0x10];
	(tm) =	ssettm $0x1  }
0x97: {  	s17 =	sld [smem:$0x3FFB];
	_ =	sdelay $0x3  }
0x98: {  	_ =	strace s17  }
0x99: {  	s3 =	sld [smem:$0x3FFC];
	_ =	sdelay $0x3  }
0x9a: {  	_ =	strace s3  }
0x9b: {  	s3 =	sld [smem:$0x3FFD];
	_ =	sdelay $0x3  }
0x9c: {  	_ =	strace s3  }
0x9d: {  	_ =	strace $0x8FFFFFFF  }
0x9e: {  	s18 =	sld [smem:$0x3FDB];
	_ =	sdelay $0x1  }
0x9f: {  	s19 =	simm.s32 $_scs_section_size  }
0xa0: {  	s5 =	simm.s32 $_size__tile_overlayer_lowered;
	s6 =	simm.s32 $_tile_overlayer_lowered  }
0xa1: {  	s22 =	simm.s32 $0x1BFF;
	s21 =	sshll.u32 s6, $0x1;
	s3 =	sadd.s32 s19, s18  }
0xa2: {  	s7 =	simm.s32 $0x0;
	s20 =	sshll.u32 s5, $0x1;
	s5 =	sadd.s32 s21, s3  }
0xa3: {  	[timem:s7], [sflag:s22] =	dma.local [hbm:s5], s20  }
0xa4: {  	_ =	swait.ge [sflag:s22], s20  }
0xa5: {  	s4 =	ssub.s32 $0x0, s20;
	[sflag:s22] =	ssyncset.done $0x0  }
0xa6: {  	[sflag:s22] =	ssyncadd.s32 s4;
	_ =	sdelay $0x1  }
0xa7: {  	s23 =	simm.s32 $0x1B8B  }
0xa8: {  	_ =	swait.ge [sflag:s23], $0x1  }
0xa9: {  	[sflag:s23] =	ssyncset.done $0x0  }
0xaa: {  	s25 =	simm.s32 $0x1B8E;
	s24 =	sld [smem:$0x3FFE];
	[sflag:s23] =	ssyncadd.s32 $0xFFFFFFFF  }
0xab: {  	s26 =	simm.s32 $execute0_lowered;
	[smem:$0x3FD2] =	sst s25  }
0xac: {  	s5 =	sshll.u32 s26, $0x1;
	_ =	strace $0x80000046;
	[dreg:$0x1] =	wrdreg $0xFFFFFFFF  }
0xad: {  	s28 =	simm.s32 $_size_execute0_lowered;
	s3 =	sadd.s32 s3, s5;
	[dreg:$0x0] =	wrdreg $0x0  }
0xae: {  	s5 =	sshll.u32 s28, $0x1;
	[dreg:$0x2] =	wrdreg s3  }
0xaf: {  	[dreg:$0x3] =	wrdreg s5  }
0xb0: {  	[dreg:$0x4] =	wrdreg $0xC0  }
0xb1: {  	_ =	task [dreg:s7], $0x5FFFF  }
0xb2: {  	[dreg:$0x1] =	wrdreg $0xFFFFFFFF  }
0xb3: {  	[dreg:$0x0] =	wrdreg $0x60  }
0xb4: {  	[dreg:$0x2] =	wrdreg s16  }
0xb5: {  	[dreg:$0x3] =	wrdreg s24  }
0xb6: {  	[dreg:$0x4] =	wrdreg $0x70000  }
0xb7: {  	[dreg:$0x5] =	wrdreg $0x9  }
0xb8: {  	_ =	task.clear_ibuf [dreg:s7], $0x6FFFF;
	_ =	strace $0x90000046  }
0xb9: {  	s29 =	simm.s32 $0x9;
	_ =	strace $0x80000048  }
0xba: {  	_ =	swait.ge [sflag:s29], $0x1  }
0xbb: {  	[sflag:s29] =	ssyncadd.s32 $0xFFFFFFFF  }
0xbc: {  	_ =	strace $0x90000048  }
0xbd: {  	_ =	sfence  }
0xbe: {  	s30 =	sld [smem:$0x0];
	_ =	sdelay $0x2  }
0xbf: {  	s31 =	sshll.u32 s1, $0xD;
	s1 =	sshrl.u32 s1, $0x2  }
0xc0: {  	s3 =	sand.u32 $0x4000, s31;
	s1 =	sadd.s32 s1, s30  }
0xc1: {  	s0 =	sor.u32 s3, s0;
	s1 =	sshll.u32 s1, $0x11  }
0xc2: {  	s0 =	sor.u32 s1, s0  }
0xc3: {  	s0 =	sadd.s32 $0x8F2B, s0  }
0xc4: {  	[sflag:s0] =	ssyncadd.remote.s32 $0x1  }
0xc5: {  	_ =	sfence.sel $0xFFFF  }
0xc6: {  	[dreg:$0x0] =	wrdreg $0xFFFFFFFF;
	(pc) =	sbr.abs _section_cstart, $3  }
0xc7: {  	[dreg:$0x1] =	wrdreg $0xFFFFFFFF  }
0xc8: {  	_ =	task.clear_ibuf [dreg:s7], $0x2FFFF;
	_ =	strace $0x9FFFFFFF  }
0xc9: {  	(tm) =	ssettm $0x7FFFFFFF  }
tec
execute0_lowered:
.L_overlay_start_1:
0x0: {  	(tag) =	ssettag $0x1  }
0x1: {  	s2 =	rddreg [dreg:$0x0]  }
0x2: {  	s0 =	srdreg.scid;
	s6 =	rddreg [dreg:$0x1]  }
0x3: {  	s3 =	rddreg [dreg:$0x2];
	s4 =	simm.s32 $0x0;
	s14 =	simm.s32 $0x80  }
0x4: {  	s15 =	simm.s32 $0x5000;
	s5 =	sand.u32 $0x1, s0;
	s0 =	stileid.u32  }
0x5: {  	s16 =	simm.s32 $0x1;
	s17 =	simm.s32 $0x0;
	s8 =	smul.u32 $0xA000, s0  }
0x6: {  	[smem:$0x7FF] =	sst s4;
	s1 =	sshll.u32 s5, $0x4;
	s9 =	smul.u32 $0x1400, s0  }
0x7: {  	s10 =	smul.u32 $0x14000, s5;
	s5 =	ssub.s32 $0x2, s5;
	s12 =	sshll.u32 s0, $0x6  }
0x8: {  	s1 =	sor.u32 s0, s1;
	s31 =	sshrl.u32 s5, $0x1;
	s12 =	sor.u32 $0x1C02, s12  }
0x9: {  	s7 =	smul.u32 $0x500, s1;
	s1 =	rddreg [dreg:$0x3];
	_ =	strace $0x80000047  }
0xa: {  	s11 =	sshrl.u32 s8, $0x3;
	s9 =	sadd.s32 s9, s10;
	s10 =	ssub.s32 s5, s31  }
0xb: {  	s13 =	sadd.s32 s8, s3;
	s11 =	sadd.s32 s11, s6;
	s9 =	sadd.s32 s9, s6  }
0xc: {  	s13 =	sshrl.u32 s13, $0x3;
	s7 =	sadd.s32 s7, s6;
	s8 =	sadd.s32 $0x2AA00, s9  }
0xd: {  	s9 =	smax.u32 s10, $0x1;
	s10 =	simm.s32 $0x2;
	s5 =	sadd.s32 $0x2A00, s7  }
0xe: {  	s6 =	sadd.s32 $0xCA00, s7;
	s7 =	sadd.s32 $0x16A00, s11;
	s11 =	simm.s32 $0x2800  }
.LBB2_1:
0xf: {  	[tilespmem:s4], [sflag:$0x2] =	stream.linear.gather [hbm4b:s5+s4], $0x2800, $0x38;
	[tilespmem:$0x11000] =	vst v63  }
0x10: {  	_ =	swait.ge [sflag:s10], $0x2800  }
0x11: {  	[sflag:s10] =	ssyncset.done $0x0  }
0x12: {  	[sflag:s10] =	ssyncadd.s32 $0xFFFFD800  }
0x13: {  	[tilespmem:s11], [sflag:$0x2] =	stream.linear.gather [hbm4b:s6+s4], $0x2800, $0x38;
	[tilespmem:$0x11000] =	vst v63  }
0x14: {  	_ =	swait.ge [sflag:s10], $0x2800  }
0x15: {  	[sflag:s10] =	ssyncset.done $0x0  }
0x16: {  	[sflag:s10] =	ssyncadd.s32 $0xFFFFD800  }
0x17: {  	[spmem:s13], [sflag:s12] =	dma.local [hbm:s7], $0x1400  }
0x18: {  	_ =	swait.ge [sflag:s10], $0x1400  }
0x19: {  	[sflag:s10] =	ssyncset.done $0x0  }
0x1a: {  	[sflag:s10] =	ssyncadd.s32 $0xFFFFEC00  }
0x1b: {  	s18 =	simm.s32 $0x0;
	[bflag:$0x0] =	sbarrier.arrive $0xFFFF  }
0x1c: {  	[tilespmem:s15], [sflag:$0x1] =	stream.indirect.gather [hbm4b:s2+s14], $0x40, s18, s14, $0xb8;
	[tilespmem:$0x11000] =	vst v63  }
0x1d: {  	_ =	swait.ge [sflag:s16], $0x2000  }
0x1e: {  	[sflag:s16] =	ssyncset.done $0x0  }
0x1f: {  	s31 =	simm.s32 $0x2800;
	[sflag:s16] =	ssyncadd.s32 $0xFFFFE000  }
0x20: {  	[spmem:s3] =	stream.indirect.scatter.add.f32 [tilespmem:s15], [sflag:$0x2], $0x40, s31, s14, $0xb8;
	[tilespmem:$0x11000] =	vst v63  }
0x21: {  	_ =	swait.ge [sflag:s10], $0x2000  }
0x22: {  	s19 =	simm.s32 $0x400;
	s18 =	simm.s32 $0x200;
	[sflag:s10] =	ssyncset.done $0x0  }
.LBB2_2:
0x23: {  	s20 =	sshra.s32 s18, $0x2  }
0x24: {  	[sflag:s10] =	ssyncadd.s32 $0xFFFFE000;
	s18 =	smov.u32 s19;
	s21 =	sadd.s32 $0x200, s19  }
0x25: {  	[tilespmem:s15], [sflag:$0x1] =	stream.indirect.gather [hbm4b:s2+s14], $0x40, s20, s14, $0xb8;
	[tilespmem:$0x11000] =	vst v63  }
0x26: {  	p0 =	sne.s32 s19, $0x9E00;
	_ =	swait.ge [sflag:s16], $0x2000  }
.Ltmp0:
0x27: {  	[sflag:s16] =	ssyncset.done $0x0;
	(pc) =	sbr.rel @p0 .LBB2_2-.Ltmp0, $4  }
0x28: {  	s19 =	sadd.s32 $0x2800, s20;
	[sflag:s16] =	ssyncadd.s32 $0xFFFFE000  }
0x29: {  	[spmem:s3] =	stream.indirect.scatter.add.f32 [tilespmem:s15], [sflag:$0x2], $0x40, s19, s14, $0xb8;
	[tilespmem:$0x11000] =	vst v63  }
0x2a: {  	_ =	swait.ge [sflag:s10], $0x2000  }
0x2b: {  	s19 =	smov.u32 s21;
	[sflag:s10] =	ssyncset.done $0x0  }
0x2c: {  	s18 =	sshra.s32 s18, $0x2;
	[sflag:s10] =	ssyncadd.s32 $0xFFFFE000  }
0x2d: {  	[tilespmem:s15], [sflag:$0x1] =	stream.indirect.gather [hbm4b:s2+s14], $0x40, s18, s14, $0xb8;
	[tilespmem:$0x11000] =	vst v63  }
0x2e: {  	_ =	swait.ge [sflag:s16], $0x2000  }
0x2f: {  	[sflag:s16] =	ssyncset.done $0x0  }
0x30: {  	s18 =	sadd.s32 $0x2800, s18;
	[sflag:s16] =	ssyncadd.s32 $0xFFFFE000  }
0x31: {  	[spmem:s3] =	stream.indirect.scatter.add.f32 [tilespmem:s15], [sflag:$0x2], $0x40, s18, s14, $0xb8;
	[tilespmem:$0x11000] =	vst v63  }
0x32: {  	_ =	swait.ge [sflag:s10], $0x2000  }
0x33: {  	s17 =	sadd.s32 $0x1, s17;
	[sflag:s10] =	ssyncset.done $0x0  }
0x34: {  	p0 =	sne.s32 s17, s9;
	[sflag:s10] =	ssyncadd.s32 $0xFFFFE000  }
.Ltmp1:
0x35: {  	[bflag:$0x0] =	sbarrier.arrive $0xFFFF;
	(pc) =	sbr.rel @p0 .LBB2_1-.Ltmp1, $4  }
0x36: {  	[hbm:s8], [sflag:s12] =	dma.local [spmem:s13], $0x1400  }
0x37: {  	_ =	swait.ge [sflag:s10], $0x1400  }
0x38: {  	[sflag:s10] =	ssyncset.done $0x0  }
0x39: {  	[sflag:s10] =	ssyncadd.s32 $0xFFFFEC00  }
0x3a: {  	_ =	sfence.sel $0x180000  }
0x3b: {  	[bflag:$0x0] =	sbarrier.arrive $0xFFFF  }
0x3c: {  	p0 =	sne.s32 s0, $0x0;
	_ =	strace $0x90000047  }
0x3d: {  	s0 =	sadd.s32 @!p0 $0x100000, s1;
	[bflag:$0x2] =	sbarrier.arrive $0xFFFF  }
0x3e: {  	[sflag:s0] =	ssyncadd.tile.s32 @!p0 $0x1;
	_ =	shalt  }
.Lfunc_end2:
_tile_overlayer_lowered:
.L_overlay_start_2:
0x3f: {  	(tag) =	ssettag $0x2  }
0x40: {  	s0 =	rddreg [dreg:$0x0];
	s2 =	stileid.u32  }
0x41: {  	s1 =	rddreg [dreg:$0x1];
	p0 =	sne.s32 s2, $0x0  }
0x42: {  	s3 =	rddreg [dreg:$0x2];
	[bflag:$0x3] =	sbarrier.arrive $0xFFFF;
	s2 =	simm.s32 @!p0 $0x1C02  }
0x43: {  	[timem:s3], [sflag:s2] =	dma.local @!p0 [hbm:s0], s1  }
0x44: {  	s0 =	simm.s32 @!p0 $0x2  }
0x45: {  	_ =	swait.ge @!p0 [sflag:s0], s1  }
0x46: {  	s1 =	ssub.s32 @!p0 $0x0, s1;
	[sflag:s0] =	ssyncset.done @!p0 $0x0  }
0x47: {  	[sflag:s0] =	ssyncadd.s32 @!p0 s1  }
0x48: {  	[bflag:$0x3] =	sbarrier.arrive $0xFFFF  }
0x49: {  	_ =	shalt  }

</sc_bundles>
